<compile_context>
chip_gen: v7x
topology: tpu7x:2x2x1
jax: 0.10.2.dev20260603
libtpu: 0.0.44.dev20260713+nightly
codegen_flags: <defaults>
</compile_context>

<pallas_src>
import jax
import jax.numpy as jnp
from jax import lax
from jax.experimental import pallas as pl
from jax.experimental.pallas import tpu as pltpu
from jax.experimental.pallas import tpu_sc as plsc

_NC = 2
_NS = 16
_NW = _NC * _NS
_L = 16
_D = 32
_B = 16384
_BPW = _B // _NW
_NCHUNK = 4
_CH = _BPW // _NCHUNK
_REG = 0.001


def _sc_body(rows_hbm, cols_hbm, p_hbm, q_hbm, preds_hbm, regs_hbm,
             idx_r, idx_c, pe, qe, out_v, reg_v, sem_p, sem_q):
    wid = lax.axis_index("s") * _NC + lax.axis_index("c")
    pltpu.sync_copy(rows_hbm.at[wid], idx_r)
    pltpu.sync_copy(cols_hbm.at[wid], idx_c)

    copies = []
    for c in range(_NCHUNK):
        copies.append(pltpu.async_copy(
            p_hbm.at[idx_r.at[c]], pe.at[pl.ds(c * _CH, _CH)], sem_p))
        copies.append(pltpu.async_copy(
            q_hbm.at[idx_c.at[c]], qe.at[pl.ds(c * _CH, _CH)], sem_q))
    for cp in copies:
        cp.wait()

    iota = lax.iota(jnp.int32, _L)

    def group(g, carry):
        accp, accq = carry
        row0 = g * _L
        rowidx = row0 + iota
        acc = jnp.zeros((_L,), jnp.float32)
        for j in range(_D // 2):
            colidx = jnp.full((_L,), j, jnp.int32)
            pvi = plsc.load_gather(pe, [rowidx, colidx])
            qvi = plsc.load_gather(qe, [rowidx, colidx])
            pv0, pv1 = plsc.unpack(
                plsc.bitcast(pvi, jnp.bfloat16),
                format=plsc.PackFormat.INTERLEAVED)
            qv0, qv1 = plsc.unpack(
                plsc.bitcast(qvi, jnp.bfloat16),
                format=plsc.PackFormat.INTERLEAVED)
            acc = acc + pv0 * qv0 + pv1 * qv1
            accp = accp + pv0 * pv0 + pv1 * pv1
            accq = accq + qv0 * qv0 + qv1 * qv1
        out_v[pl.ds(row0, _L)] = acc
        return accp, accq

    zero = jnp.zeros((_L,), jnp.float32)
    accp, accq = lax.fori_loop(0, _BPW // _L, group, (zero, zero))
    reg_v[0] = accp * _REG
    reg_v[1] = accq * _REG

    pltpu.sync_copy(out_v, preds_hbm.at[wid])
    pltpu.sync_copy(reg_v, regs_hbm.at[wid])


@jax.jit
def kernel(rows, cols, ratval, P, Q):
    del ratval
    rows3 = rows.reshape(_NW, _NCHUNK, _CH)
    cols3 = cols.reshape(_NW, _NCHUNK, _CH)
    p_i = lax.bitcast_convert_type(
        P.astype(jnp.bfloat16).reshape(-1, _D // 2, 2), jnp.int32)
    q_i = lax.bitcast_convert_type(
        Q.astype(jnp.bfloat16).reshape(-1, _D // 2, 2), jnp.int32)
    mesh = plsc.VectorSubcoreMesh(core_axis_name="c", subcore_axis_name="s")
    run = pl.kernel(
        _sc_body,
        out_type=[
            jax.ShapeDtypeStruct((_NW, _BPW), jnp.float32),
            jax.ShapeDtypeStruct((_NW, 2, _L), jnp.float32),
        ],
        mesh=mesh,
        compiler_params=pltpu.CompilerParams(
            needs_layout_passes=False,
            use_tc_tiling_on_sc=False,
        ),
        scratch_types=[
            pltpu.VMEM((_NCHUNK, _CH), jnp.int32),
            pltpu.VMEM((_NCHUNK, _CH), jnp.int32),
            pltpu.VMEM((_BPW, _D // 2), jnp.int32),
            pltpu.VMEM((_BPW, _D // 2), jnp.int32),
            pltpu.VMEM((_BPW,), jnp.float32),
            pltpu.VMEM((2, _L), jnp.float32),
            pltpu.SemaphoreType.DMA,
            pltpu.SemaphoreType.DMA,
        ],
    )
    preds, regs = run(rows3, cols3, p_i, q_i)
    preds_rat = preds.reshape(_B, 1)
    ues_reg = jnp.sum(regs[:, 0, :])
    uis_rat_reg = jnp.sum(regs[:, 1, :])
    return (preds_rat, ues_reg, uis_rat_reg)

# --- scband reference (transcript-rebuilt; emitter-appended) ---
"""Pipeline reference for scband-base-module-49718541418517 (READ-ONLY COPY).

The authoritative reference and input builder live on the scoring server;
editing this copy changes nothing except your own understanding.
"""

import jax, jax.numpy as jnp
import numpy as np

N_USERS = 1000000
N_ITEMS = 1000000
N_FACTORS = 32
BATCH = 16384
REG_USER = 0.001
REG_ITEM_RAT = 0.001


def regularization(x, reg):
    # Standard L2 regularization: reg * sum(x^2)
    return reg * jnp.sum(x * x)


def setup_inputs(seed: int = 0) -> dict:
    key = jax.random.key(seed)
    k1, k2, k3, k4, k5 = jax.random.split(key, 5)
    rows = jax.random.randint(k1, (BATCH,), 0, N_USERS, dtype=jnp.int32)
    cols = jax.random.randint(k2, (BATCH,), 0, N_ITEMS, dtype=jnp.int32)
    ratval = jax.random.uniform(k3, (BATCH,), dtype=jnp.float32)
    # Learned parameters (embedding tables), default nn.Embedding init ~ N(0,1);
    # scaled slightly for numerical stability of downstream sums.
    P = jax.random.normal(k4, (N_USERS, N_FACTORS), dtype=jnp.float32)
    Q = jax.random.normal(k5, (N_ITEMS, N_FACTORS), dtype=jnp.float32)
    return {"rows": rows, "cols": cols, "ratval": ratval, "P": P, "Q": Q}


def reference(rows, cols, ratval, P, Q):
    # data = ((rows, cols), ratval); ratval is unused in forward()
    ues = jnp.take(P, rows, axis=0)            # user_embedding(rows)
    uis_rat = jnp.take(Q, cols, axis=0)        # item_rat_embedding(cols)
    ues_reg = regularization(ues, REG_USER)
    uis_rat_reg = regularization(uis_rat, REG_ITEM_RAT)
    preds_rat = jnp.sum(ues * uis_rat, axis=1, keepdims=True)
    return (preds_rat, ues_reg, uis_rat_reg)

if __name__ == "__main__":
    import jax
    _d = setup_inputs()
    print(jax.jit(kernel)(*tuple(_d.values())))

</pallas_src>

<mosaic_0001>
#map = affine_map<(d0, d1) -> (0, 0, 0)>
#map1 = affine_map<(d0, d1) -> (0, 0)>
module attributes {stable_mosaic.version = 14 : i64} {
  func.func @_sc_body(%arg0: i32, %arg1: i32, %arg2: memref<32x4x128xi32, #tpu.memory_space<hbm>>, %arg3: memref<32x4x128xi32, #tpu.memory_space<hbm>>, %arg4: memref<1000000x16xi32, #tpu.memory_space<hbm>>, %arg5: memref<1000000x16xi32, #tpu.memory_space<hbm>>, %arg6: memref<32x512xf32, #tpu.memory_space<hbm>>, %arg7: memref<32x2x16xf32, #tpu.memory_space<hbm>>, %arg8: memref<4x128xi32, #tpu.memory_space<vmem>>, %arg9: memref<4x128xi32, #tpu.memory_space<vmem>>, %arg10: memref<512x16xi32, #tpu.memory_space<vmem>>, %arg11: memref<512x16xi32, #tpu.memory_space<vmem>>, %arg12: memref<512xf32, #tpu.memory_space<vmem>>, %arg13: memref<2x16xf32, #tpu.memory_space<vmem>>, %arg14: memref<!tpu.dma_semaphore, #tpu.memory_space<semaphore_mem>>, %arg15: memref<!tpu.dma_semaphore, #tpu.memory_space<semaphore_mem>>) attributes {dimension_semantics = [#tpu.dimension_semantics<core_parallel>, #tpu.dimension_semantics<subcore_parallel>], iteration_bounds = array<i64: 2, 16>, scalar_prefetch = 0 : i64, scratch_operands = 8 : i64, tpu.core_type = #tpu.core_type<sc_vector_subcore>, window_params = [{transform_indices = #map}, {transform_indices = #map}, {transform_indices = #map1}, {transform_indices = #map1}, {transform_indices = #map1}, {transform_indices = #map}]} {
    %mul3A = arith.constant 2 : i32
    %mul3A_0 = arith.muli %arg1, %mul3A : i32
    %add3A = arith.addi %mul3A_0, %arg0 : i32
    "tpu.region"() ({
      %run_scoped3A = tpu.sem_alloc : memref<!tpu.dma_semaphore, #tpu.memory_space<semaphore_mem>>
      %dma_start3A_178 = arith.constant 0 : i32
      %dma_start3A_179 = arith.constant 0 : i32
      %dma_start3A_180 = tpu.memref_slice %arg2[%add3A, %dma_start3A_178, %dma_start3A_179] : memref<32x4x128xi32, #tpu.memory_space<hbm>> -> memref<1x4x128xi32, #tpu.memory_space<hbm>>
      %dma_start3A_181 = tpu.memref_squeeze %dma_start3A_180 : memref<1x4x128xi32, #tpu.memory_space<hbm>> -> memref<4x128xi32, #tpu.memory_space<hbm>>
      %dma_start3A_182 = arith.constant 0 : i32
      %dma_start3A_183 = arith.constant 0 : i32
      %dma_start3A_184 = tpu.memref_slice %arg2[%add3A, %dma_start3A_182, %dma_start3A_183] : memref<32x4x128xi32, #tpu.memory_space<hbm>> -> memref<1x4x128xi32, #tpu.memory_space<hbm>>
      %dma_start3A_185 = tpu.memref_squeeze %dma_start3A_184 : memref<1x4x128xi32, #tpu.memory_space<hbm>> -> memref<4x128xi32, #tpu.memory_space<hbm>>
      tpu.enqueue_dma source(%dma_start3A_185 : memref<4x128xi32, #tpu.memory_space<hbm>>) target(%arg8 : memref<4x128xi32, #tpu.memory_space<vmem>>) target_semaphore(%run_scoped3A : memref<!tpu.dma_semaphore, #tpu.memory_space<semaphore_mem>>)
      %dma_wait3A_186 = arith.constant 0 : i32
      %dma_wait3A_187 = arith.constant 0 : i32
      %dma_wait3A_188 = tpu.memref_slice %arg2[%add3A, %dma_wait3A_186, %dma_wait3A_187] : memref<32x4x128xi32, #tpu.memory_space<hbm>> -> memref<1x4x128xi32, #tpu.memory_space<hbm>>
      %dma_wait3A_189 = tpu.memref_squeeze %dma_wait3A_188 : memref<1x4x128xi32, #tpu.memory_space<hbm>> -> memref<4x128xi32, #tpu.memory_space<hbm>>
      %dma_wait3A_190 = arith.constant 0 : i32
      %dma_wait3A_191 = arith.constant 0 : i32
      %dma_wait3A_192 = tpu.memref_slice %arg2[%add3A, %dma_wait3A_190, %dma_wait3A_191] : memref<32x4x128xi32, #tpu.memory_space<hbm>> -> memref<1x4x128xi32, #tpu.memory_space<hbm>>
      %dma_wait3A_193 = tpu.memref_squeeze %dma_wait3A_192 : memref<1x4x128xi32, #tpu.memory_space<hbm>> -> memref<4x128xi32, #tpu.memory_space<hbm>>
      tpu.wait_dma2 semaphore(%run_scoped3A : memref<!tpu.dma_semaphore, #tpu.memory_space<semaphore_mem>>) src(%dma_wait3A_193 : memref<4x128xi32, #tpu.memory_space<hbm>>) dst(%arg8 : memref<4x128xi32, #tpu.memory_space<vmem>>)
      tpu.yield
    }) : () -> ()
    "tpu.region"() ({
      %run_scoped3A = tpu.sem_alloc : memref<!tpu.dma_semaphore, #tpu.memory_space<semaphore_mem>>
      %dma_start3A_178 = arith.constant 0 : i32
      %dma_start3A_179 = arith.constant 0 : i32
      %dma_start3A_180 = tpu.memref_slice %arg3[%add3A, %dma_start3A_178, %dma_start3A_179] : memref<32x4x128xi32, #tpu.memory_space<hbm>> -> memref<1x4x128xi32, #tpu.memory_space<hbm>>
      %dma_start3A_181 = tpu.memref_squeeze %dma_start3A_180 : memref<1x4x128xi32, #tpu.memory_space<hbm>> -> memref<4x128xi32, #tpu.memory_space<hbm>>
      %dma_start3A_182 = arith.constant 0 : i32
      %dma_start3A_183 = arith.constant 0 : i32
      %dma_start3A_184 = tpu.memref_slice %arg3[%add3A, %dma_start3A_182, %dma_start3A_183] : memref<32x4x128xi32, #tpu.memory_space<hbm>> -> memref<1x4x128xi32, #tpu.memory_space<hbm>>
      %dma_start3A_185 = tpu.memref_squeeze %dma_start3A_184 : memref<1x4x128xi32, #tpu.memory_space<hbm>> -> memref<4x128xi32, #tpu.memory_space<hbm>>
      tpu.enqueue_dma source(%dma_start3A_185 : memref<4x128xi32, #tpu.memory_space<hbm>>) target(%arg9 : memref<4x128xi32, #tpu.memory_space<vmem>>) target_semaphore(%run_scoped3A : memref<!tpu.dma_semaphore, #tpu.memory_space<semaphore_mem>>)
      %dma_wait3A_186 = arith.constant 0 : i32
      %dma_wait3A_187 = arith.constant 0 : i32
      %dma_wait3A_188 = tpu.memref_slice %arg3[%add3A, %dma_wait3A_186, %dma_wait3A_187] : memref<32x4x128xi32, #tpu.memory_space<hbm>> -> memref<1x4x128xi32, #tpu.memory_space<hbm>>
      %dma_wait3A_189 = tpu.memref_squeeze %dma_wait3A_188 : memref<1x4x128xi32, #tpu.memory_space<hbm>> -> memref<4x128xi32, #tpu.memory_space<hbm>>
      %dma_wait3A_190 = arith.constant 0 : i32
      %dma_wait3A_191 = arith.constant 0 : i32
      %dma_wait3A_192 = tpu.memref_slice %arg3[%add3A, %dma_wait3A_190, %dma_wait3A_191] : memref<32x4x128xi32, #tpu.memory_space<hbm>> -> memref<1x4x128xi32, #tpu.memory_space<hbm>>
      %dma_wait3A_193 = tpu.memref_squeeze %dma_wait3A_192 : memref<1x4x128xi32, #tpu.memory_space<hbm>> -> memref<4x128xi32, #tpu.memory_space<hbm>>
      tpu.wait_dma2 semaphore(%run_scoped3A : memref<!tpu.dma_semaphore, #tpu.memory_space<semaphore_mem>>) src(%dma_wait3A_193 : memref<4x128xi32, #tpu.memory_space<hbm>>) dst(%arg9 : memref<4x128xi32, #tpu.memory_space<vmem>>)
      tpu.yield
    }) : () -> ()
    %dma_start3A = arith.constant 0 : i32
    %dma_start3A_1 = arith.constant 0 : i32
    %dma_start3A_2 = arith.constant 0 : i32
    %dma_start3A_3 = tpu.memref_slice %arg10[%dma_start3A_1, %dma_start3A_2] : memref<512x16xi32, #tpu.memory_space<vmem>> -> memref<128x16xi32, #tpu.memory_space<vmem>>
    %dma_start3A_4 = arith.constant 0 : i32
    %dma_start3A_5 = tpu.memref_slice %arg8[%dma_start3A, %dma_start3A_4] : memref<4x128xi32, #tpu.memory_space<vmem>> -> memref<1x128xi32, #tpu.memory_space<vmem>>
    %dma_start3A_6 = tpu.memref_squeeze %dma_start3A_5 : memref<1x128xi32, #tpu.memory_space<vmem>> -> memref<128xi32, #tpu.memory_space<vmem>>
    %dma_start3A_7 = arith.constant 0 : i32
    %dma_start3A_8 = arith.constant 0 : i32
    %dma_start3A_9 = tpu.memref_slice %arg4[%dma_start3A_7, %dma_start3A_8] : memref<1000000x16xi32, #tpu.memory_space<hbm>> -> memref<1000000x16xi32, #tpu.memory_space<hbm>>
    tpu.enqueue_indirect_dma source(%dma_start3A_9 : memref<1000000x16xi32, #tpu.memory_space<hbm>>) target(%dma_start3A_3 : memref<128x16xi32, #tpu.memory_space<vmem>>) offsets(%dma_start3A_6 : memref<128xi32, #tpu.memory_space<vmem>>) semaphore(%arg14 : memref<!tpu.dma_semaphore, #tpu.memory_space<semaphore_mem>>)
    %dma_start3A_10 = arith.constant 0 : i32
    %dma_start3A_11 = arith.constant 0 : i32
    %dma_start3A_12 = arith.constant 0 : i32
    %dma_start3A_13 = tpu.memref_slice %arg11[%dma_start3A_11, %dma_start3A_12] : memref<512x16xi32, #tpu.memory_space<vmem>> -> memref<128x16xi32, #tpu.memory_space<vmem>>
    %dma_start3A_14 = arith.constant 0 : i32
    %dma_start3A_15 = tpu.memref_slice %arg9[%dma_start3A_10, %dma_start3A_14] : memref<4x128xi32, #tpu.memory_space<vmem>> -> memref<1x128xi32, #tpu.memory_space<vmem>>
    %dma_start3A_16 = tpu.memref_squeeze %dma_start3A_15 : memref<1x128xi32, #tpu.memory_space<vmem>> -> memref<128xi32, #tpu.memory_space<vmem>>
    %dma_start3A_17 = arith.constant 0 : i32
    %dma_start3A_18 = arith.constant 0 : i32
    %dma_start3A_19 = tpu.memref_slice %arg5[%dma_start3A_17, %dma_start3A_18] : memref<1000000x16xi32, #tpu.memory_space<hbm>> -> memref<1000000x16xi32, #tpu.memory_space<hbm>>
    tpu.enqueue_indirect_dma source(%dma_start3A_19 : memref<1000000x16xi32, #tpu.memory_space<hbm>>) target(%dma_start3A_13 : memref<128x16xi32, #tpu.memory_space<vmem>>) offsets(%dma_start3A_16 : memref<128xi32, #tpu.memory_space<vmem>>) semaphore(%arg15 : memref<!tpu.dma_semaphore, #tpu.memory_space<semaphore_mem>>)
    %dma_start3A_20 = arith.constant 1 : i32
    %dma_start3A_21 = arith.constant 128 : i32
    %dma_start3A_22 = arith.constant 0 : i32
    %dma_start3A_23 = tpu.memref_slice %arg10[%dma_start3A_21, %dma_start3A_22] : memref<512x16xi32, #tpu.memory_space<vmem>> -> memref<128x16xi32, #tpu.memory_space<vmem>>
    %dma_start3A_24 = arith.constant 0 : i32
    %dma_start3A_25 = tpu.memref_slice %arg8[%dma_start3A_20, %dma_start3A_24] : memref<4x128xi32, #tpu.memory_space<vmem>> -> memref<1x128xi32, #tpu.memory_space<vmem>>
    %dma_start3A_26 = tpu.memref_squeeze %dma_start3A_25 : memref<1x128xi32, #tpu.memory_space<vmem>> -> memref<128xi32, #tpu.memory_space<vmem>>
    %dma_start3A_27 = arith.constant 0 : i32
    %dma_start3A_28 = arith.constant 0 : i32
    %dma_start3A_29 = tpu.memref_slice %arg4[%dma_start3A_27, %dma_start3A_28] : memref<1000000x16xi32, #tpu.memory_space<hbm>> -> memref<1000000x16xi32, #tpu.memory_space<hbm>>
    tpu.enqueue_indirect_dma source(%dma_start3A_29 : memref<1000000x16xi32, #tpu.memory_space<hbm>>) target(%dma_start3A_23 : memref<128x16xi32, #tpu.memory_space<vmem>>) offsets(%dma_start3A_26 : memref<128xi32, #tpu.memory_space<vmem>>) semaphore(%arg14 : memref<!tpu.dma_semaphore, #tpu.memory_space<semaphore_mem>>)
    %dma_start3A_30 = arith.constant 1 : i32
    %dma_start3A_31 = arith.constant 128 : i32
    %dma_start3A_32 = arith.constant 0 : i32
    %dma_start3A_33 = tpu.memref_slice %arg11[%dma_start3A_31, %dma_start3A_32] : memref<512x16xi32, #tpu.memory_space<vmem>> -> memref<128x16xi32, #tpu.memory_space<vmem>>
    %dma_start3A_34 = arith.constant 0 : i32
    %dma_start3A_35 = tpu.memref_slice %arg9[%dma_start3A_30, %dma_start3A_34] : memref<4x128xi32, #tpu.memory_space<vmem>> -> memref<1x128xi32, #tpu.memory_space<vmem>>
    %dma_start3A_36 = tpu.memref_squeeze %dma_start3A_35 : memref<1x128xi32, #tpu.memory_space<vmem>> -> memref<128xi32, #tpu.memory_space<vmem>>
    %dma_start3A_37 = arith.constant 0 : i32
    %dma_start3A_38 = arith.constant 0 : i32
    %dma_start3A_39 = tpu.memref_slice %arg5[%dma_start3A_37, %dma_start3A_38] : memref<1000000x16xi32, #tpu.memory_space<hbm>> -> memref<1000000x16xi32, #tpu.memory_space<hbm>>
    tpu.enqueue_indirect_dma source(%dma_start3A_39 : memref<1000000x16xi32, #tpu.memory_space<hbm>>) target(%dma_start3A_33 : memref<128x16xi32, #tpu.memory_space<vmem>>) offsets(%dma_start3A_36 : memref<128xi32, #tpu.memory_space<vmem>>) semaphore(%arg15 : memref<!tpu.dma_semaphore, #tpu.memory_space<semaphore_mem>>)
    %dma_start3A_40 = arith.constant 2 : i32
    %dma_start3A_41 = arith.constant 256 : i32
    %dma_start3A_42 = arith.constant 0 : i32
    %dma_start3A_43 = tpu.memref_slice %arg10[%dma_start3A_41, %dma_start3A_42] : memref<512x16xi32, #tpu.memory_space<vmem>> -> memref<128x16xi32, #tpu.memory_space<vmem>>
    %dma_start3A_44 = arith.constant 0 : i32
    %dma_start3A_45 = tpu.memref_slice %arg8[%dma_start3A_40, %dma_start3A_44] : memref<4x128xi32, #tpu.memory_space<vmem>> -> memref<1x128xi32, #tpu.memory_space<vmem>>
    %dma_start3A_46 = tpu.memref_squeeze %dma_start3A_45 : memref<1x128xi32, #tpu.memory_space<vmem>> -> memref<128xi32, #tpu.memory_space<vmem>>
    %dma_start3A_47 = arith.constant 0 : i32
    %dma_start3A_48 = arith.constant 0 : i32
    %dma_start3A_49 = tpu.memref_slice %arg4[%dma_start3A_47, %dma_start3A_48] : memref<1000000x16xi32, #tpu.memory_space<hbm>> -> memref<1000000x16xi32, #tpu.memory_space<hbm>>
    tpu.enqueue_indirect_dma source(%dma_start3A_49 : memref<1000000x16xi32, #tpu.memory_space<hbm>>) target(%dma_start3A_43 : memref<128x16xi32, #tpu.memory_space<vmem>>) offsets(%dma_start3A_46 : memref<128xi32, #tpu.memory_space<vmem>>) semaphore(%arg14 : memref<!tpu.dma_semaphore, #tpu.memory_space<semaphore_mem>>)
    %dma_start3A_50 = arith.constant 2 : i32
    %dma_start3A_51 = arith.constant 256 : i32
    %dma_start3A_52 = arith.constant 0 : i32
    %dma_start3A_53 = tpu.memref_slice %arg11[%dma_start3A_51, %dma_start3A_52] : memref<512x16xi32, #tpu.memory_space<vmem>> -> memref<128x16xi32, #tpu.memory_space<vmem>>
    %dma_start3A_54 = arith.constant 0 : i32
    %dma_start3A_55 = tpu.memref_slice %arg9[%dma_start3A_50, %dma_start3A_54] : memref<4x128xi32, #tpu.memory_space<vmem>> -> memref<1x128xi32, #tpu.memory_space<vmem>>
    %dma_start3A_56 = tpu.memref_squeeze %dma_start3A_55 : memref<1x128xi32, #tpu.memory_space<vmem>> -> memref<128xi32, #tpu.memory_space<vmem>>
    %dma_start3A_57 = arith.constant 0 : i32
    %dma_start3A_58 = arith.constant 0 : i32
    %dma_start3A_59 = tpu.memref_slice %arg5[%dma_start3A_57, %dma_start3A_58] : memref<1000000x16xi32, #tpu.memory_space<hbm>> -> memref<1000000x16xi32, #tpu.memory_space<hbm>>
    tpu.enqueue_indirect_dma source(%dma_start3A_59 : memref<1000000x16xi32, #tpu.memory_space<hbm>>) target(%dma_start3A_53 : memref<128x16xi32, #tpu.memory_space<vmem>>) offsets(%dma_start3A_56 : memref<128xi32, #tpu.memory_space<vmem>>) semaphore(%arg15 : memref<!tpu.dma_semaphore, #tpu.memory_space<semaphore_mem>>)
    %dma_start3A_60 = arith.constant 3 : i32
    %dma_start3A_61 = arith.constant 384 : i32
    %dma_start3A_62 = arith.constant 0 : i32
    %dma_start3A_63 = tpu.memref_slice %arg10[%dma_start3A_61, %dma_start3A_62] : memref<512x16xi32, #tpu.memory_space<vmem>> -> memref<128x16xi32, #tpu.memory_space<vmem>>
    %dma_start3A_64 = arith.constant 0 : i32
    %dma_start3A_65 = tpu.memref_slice %arg8[%dma_start3A_60, %dma_start3A_64] : memref<4x128xi32, #tpu.memory_space<vmem>> -> memref<1x128xi32, #tpu.memory_space<vmem>>
    %dma_start3A_66 = tpu.memref_squeeze %dma_start3A_65 : memref<1x128xi32, #tpu.memory_space<vmem>> -> memref<128xi32, #tpu.memory_space<vmem>>
    %dma_start3A_67 = arith.constant 0 : i32
    %dma_start3A_68 = arith.constant 0 : i32
    %dma_start3A_69 = tpu.memref_slice %arg4[%dma_start3A_67, %dma_start3A_68] : memref<1000000x16xi32, #tpu.memory_space<hbm>> -> memref<1000000x16xi32, #tpu.memory_space<hbm>>
    tpu.enqueue_indirect_dma source(%dma_start3A_69 : memref<1000000x16xi32, #tpu.memory_space<hbm>>) target(%dma_start3A_63 : memref<128x16xi32, #tpu.memory_space<vmem>>) offsets(%dma_start3A_66 : memref<128xi32, #tpu.memory_space<vmem>>) semaphore(%arg14 : memref<!tpu.dma_semaphore, #tpu.memory_space<semaphore_mem>>)
    %dma_start3A_70 = arith.constant 3 : i32
    %dma_start3A_71 = arith.constant 384 : i32
    %dma_start3A_72 = arith.constant 0 : i32
    %dma_start3A_73 = tpu.memref_slice %arg11[%dma_start3A_71, %dma_start3A_72] : memref<512x16xi32, #tpu.memory_space<vmem>> -> memref<128x16xi32, #tpu.memory_space<vmem>>
    %dma_start3A_74 = arith.constant 0 : i32
    %dma_start3A_75 = tpu.memref_slice %arg9[%dma_start3A_70, %dma_start3A_74] : memref<4x128xi32, #tpu.memory_space<vmem>> -> memref<1x128xi32, #tpu.memory_space<vmem>>
    %dma_start3A_76 = tpu.memref_squeeze %dma_start3A_75 : memref<1x128xi32, #tpu.memory_space<vmem>> -> memref<128xi32, #tpu.memory_space<vmem>>
    %dma_start3A_77 = arith.constant 0 : i32
    %dma_start3A_78 = arith.constant 0 : i32
    %dma_start3A_79 = tpu.memref_slice %arg5[%dma_start3A_77, %dma_start3A_78] : memref<1000000x16xi32, #tpu.memory_space<hbm>> -> memref<1000000x16xi32, #tpu.memory_space<hbm>>
    tpu.enqueue_indirect_dma source(%dma_start3A_79 : memref<1000000x16xi32, #tpu.memory_space<hbm>>) target(%dma_start3A_73 : memref<128x16xi32, #tpu.memory_space<vmem>>) offsets(%dma_start3A_76 : memref<128xi32, #tpu.memory_space<vmem>>) semaphore(%arg15 : memref<!tpu.dma_semaphore, #tpu.memory_space<semaphore_mem>>)
    %dma_wait3A = arith.constant 0 : i32
    %dma_wait3A_80 = arith.constant 0 : i32
    %dma_wait3A_81 = arith.constant 0 : i32
    %dma_wait3A_82 = tpu.memref_slice %arg10[%dma_wait3A_80, %dma_wait3A_81] : memref<512x16xi32, #tpu.memory_space<vmem>> -> memref<128x16xi32, #tpu.memory_space<vmem>>
    %dma_wait3A_83 = arith.constant 0 : i32
    %dma_wait3A_84 = tpu.memref_slice %arg8[%dma_wait3A, %dma_wait3A_83] : memref<4x128xi32, #tpu.memory_space<vmem>> -> memref<1x128xi32, #tpu.memory_space<vmem>>
    %dma_wait3A_85 = tpu.memref_squeeze %dma_wait3A_84 : memref<1x128xi32, #tpu.memory_space<vmem>> -> memref<128xi32, #tpu.memory_space<vmem>>
    %dma_wait3A_86 = arith.constant 0 : i32
    %dma_wait3A_87 = arith.constant 0 : i32
    %dma_wait3A_88 = tpu.memref_slice %arg4[%dma_wait3A_86, %dma_wait3A_87] : memref<1000000x16xi32, #tpu.memory_space<hbm>> -> memref<1000000x16xi32, #tpu.memory_space<hbm>>
    tpu.wait_indirect_dma semaphore(%arg14 : memref<!tpu.dma_semaphore, #tpu.memory_space<semaphore_mem>>) src(%dma_wait3A_88 : memref<1000000x16xi32, #tpu.memory_space<hbm>>) dst(%dma_wait3A_82 : memref<128x16xi32, #tpu.memory_space<vmem>>)
    %dma_wait3A_89 = arith.constant 0 : i32
    %dma_wait3A_90 = arith.constant 0 : i32
    %dma_wait3A_91 = arith.constant 0 : i32
    %dma_wait3A_92 = tpu.memref_slice %arg11[%dma_wait3A_90, %dma_wait3A_91] : memref<512x16xi32, #tpu.memory_space<vmem>> -> memref<128x16xi32, #tpu.memory_space<vmem>>
    %dma_wait3A_93 = arith.constant 0 : i32
    %dma_wait3A_94 = tpu.memref_slice %arg9[%dma_wait3A_89, %dma_wait3A_93] : memref<4x128xi32, #tpu.memory_space<vmem>> -> memref<1x128xi32, #tpu.memory_space<vmem>>
    %dma_wait3A_95 = tpu.memref_squeeze %dma_wait3A_94 : memref<1x128xi32, #tpu.memory_space<vmem>> -> memref<128xi32, #tpu.memory_space<vmem>>
    %dma_wait3A_96 = arith.constant 0 : i32
    %dma_wait3A_97 = arith.constant 0 : i32
    %dma_wait3A_98 = tpu.memref_slice %arg5[%dma_wait3A_96, %dma_wait3A_97] : memref<1000000x16xi32, #tpu.memory_space<hbm>> -> memref<1000000x16xi32, #tpu.memory_space<hbm>>
    tpu.wait_indirect_dma semaphore(%arg15 : memref<!tpu.dma_semaphore, #tpu.memory_space<semaphore_mem>>) src(%dma_wait3A_98 : memref<1000000x16xi32, #tpu.memory_space<hbm>>) dst(%dma_wait3A_92 : memref<128x16xi32, #tpu.memory_space<vmem>>)
    %dma_wait3A_99 = arith.constant 1 : i32
    %dma_wait3A_100 = arith.constant 128 : i32
    %dma_wait3A_101 = arith.constant 0 : i32
    %dma_wait3A_102 = tpu.memref_slice %arg10[%dma_wait3A_100, %dma_wait3A_101] : memref<512x16xi32, #tpu.memory_space<vmem>> -> memref<128x16xi32, #tpu.memory_space<vmem>>
    %dma_wait3A_103 = arith.constant 0 : i32
    %dma_wait3A_104 = tpu.memref_slice %arg8[%dma_wait3A_99, %dma_wait3A_103] : memref<4x128xi32, #tpu.memory_space<vmem>> -> memref<1x128xi32, #tpu.memory_space<vmem>>
    %dma_wait3A_105 = tpu.memref_squeeze %dma_wait3A_104 : memref<1x128xi32, #tpu.memory_space<vmem>> -> memref<128xi32, #tpu.memory_space<vmem>>
    %dma_wait3A_106 = arith.constant 0 : i32
    %dma_wait3A_107 = arith.constant 0 : i32
    %dma_wait3A_108 = tpu.memref_slice %arg4[%dma_wait3A_106, %dma_wait3A_107] : memref<1000000x16xi32, #tpu.memory_space<hbm>> -> memref<1000000x16xi32, #tpu.memory_space<hbm>>
    tpu.wait_indirect_dma semaphore(%arg14 : memref<!tpu.dma_semaphore, #tpu.memory_space<semaphore_mem>>) src(%dma_wait3A_108 : memref<1000000x16xi32, #tpu.memory_space<hbm>>) dst(%dma_wait3A_102 : memref<128x16xi32, #tpu.memory_space<vmem>>)
    %dma_wait3A_109 = arith.constant 1 : i32
    %dma_wait3A_110 = arith.constant 128 : i32
    %dma_wait3A_111 = arith.constant 0 : i32
    %dma_wait3A_112 = tpu.memref_slice %arg11[%dma_wait3A_110, %dma_wait3A_111] : memref<512x16xi32, #tpu.memory_space<vmem>> -> memref<128x16xi32, #tpu.memory_space<vmem>>
    %dma_wait3A_113 = arith.constant 0 : i32
    %dma_wait3A_114 = tpu.memref_slice %arg9[%dma_wait3A_109, %dma_wait3A_113] : memref<4x128xi32, #tpu.memory_space<vmem>> -> memref<1x128xi32, #tpu.memory_space<vmem>>
    %dma_wait3A_115 = tpu.memref_squeeze %dma_wait3A_114 : memref<1x128xi32, #tpu.memory_space<vmem>> -> memref<128xi32, #tpu.memory_space<vmem>>
    %dma_wait3A_116 = arith.constant 0 : i32
    %dma_wait3A_117 = arith.constant 0 : i32
    %dma_wait3A_118 = tpu.memref_slice %arg5[%dma_wait3A_116, %dma_wait3A_117] : memref<1000000x16xi32, #tpu.memory_space<hbm>> -> memref<1000000x16xi32, #tpu.memory_space<hbm>>
    tpu.wait_indirect_dma semaphore(%arg15 : memref<!tpu.dma_semaphore, #tpu.memory_space<semaphore_mem>>) src(%dma_wait3A_118 : memref<1000000x16xi32, #tpu.memory_space<hbm>>) dst(%dma_wait3A_112 : memref<128x16xi32, #tpu.memory_space<vmem>>)
    %dma_wait3A_119 = arith.constant 2 : i32
    %dma_wait3A_120 = arith.constant 256 : i32
    %dma_wait3A_121 = arith.constant 0 : i32
    %dma_wait3A_122 = tpu.memref_slice %arg10[%dma_wait3A_120, %dma_wait3A_121] : memref<512x16xi32, #tpu.memory_space<vmem>> -> memref<128x16xi32, #tpu.memory_space<vmem>>
    %dma_wait3A_123 = arith.constant 0 : i32
    %dma_wait3A_124 = tpu.memref_slice %arg8[%dma_wait3A_119, %dma_wait3A_123] : memref<4x128xi32, #tpu.memory_space<vmem>> -> memref<1x128xi32, #tpu.memory_space<vmem>>
    %dma_wait3A_125 = tpu.memref_squeeze %dma_wait3A_124 : memref<1x128xi32, #tpu.memory_space<vmem>> -> memref<128xi32, #tpu.memory_space<vmem>>
    %dma_wait3A_126 = arith.constant 0 : i32
    %dma_wait3A_127 = arith.constant 0 : i32
    %dma_wait3A_128 = tpu.memref_slice %arg4[%dma_wait3A_126, %dma_wait3A_127] : memref<1000000x16xi32, #tpu.memory_space<hbm>> -> memref<1000000x16xi32, #tpu.memory_space<hbm>>
    tpu.wait_indirect_dma semaphore(%arg14 : memref<!tpu.dma_semaphore, #tpu.memory_space<semaphore_mem>>) src(%dma_wait3A_128 : memref<1000000x16xi32, #tpu.memory_space<hbm>>) dst(%dma_wait3A_122 : memref<128x16xi32, #tpu.memory_space<vmem>>)
    %dma_wait3A_129 = arith.constant 2 : i32
    %dma_wait3A_130 = arith.constant 256 : i32
    %dma_wait3A_131 = arith.constant 0 : i32
    %dma_wait3A_132 = tpu.memref_slice %arg11[%dma_wait3A_130, %dma_wait3A_131] : memref<512x16xi32, #tpu.memory_space<vmem>> -> memref<128x16xi32, #tpu.memory_space<vmem>>
    %dma_wait3A_133 = arith.constant 0 : i32
    %dma_wait3A_134 = tpu.memref_slice %arg9[%dma_wait3A_129, %dma_wait3A_133] : memref<4x128xi32, #tpu.memory_space<vmem>> -> memref<1x128xi32, #tpu.memory_space<vmem>>
    %dma_wait3A_135 = tpu.memref_squeeze %dma_wait3A_134 : memref<1x128xi32, #tpu.memory_space<vmem>> -> memref<128xi32, #tpu.memory_space<vmem>>
    %dma_wait3A_136 = arith.constant 0 : i32
    %dma_wait3A_137 = arith.constant 0 : i32
    %dma_wait3A_138 = tpu.memref_slice %arg5[%dma_wait3A_136, %dma_wait3A_137] : memref<1000000x16xi32, #tpu.memory_space<hbm>> -> memref<1000000x16xi32, #tpu.memory_space<hbm>>
    tpu.wait_indirect_dma semaphore(%arg15 : memref<!tpu.dma_semaphore, #tpu.memory_space<semaphore_mem>>) src(%dma_wait3A_138 : memref<1000000x16xi32, #tpu.memory_space<hbm>>) dst(%dma_wait3A_132 : memref<128x16xi32, #tpu.memory_space<vmem>>)
    %dma_wait3A_139 = arith.constant 3 : i32
    %dma_wait3A_140 = arith.constant 384 : i32
    %dma_wait3A_141 = arith.constant 0 : i32
    %dma_wait3A_142 = tpu.memref_slice %arg10[%dma_wait3A_140, %dma_wait3A_141] : memref<512x16xi32, #tpu.memory_space<vmem>> -> memref<128x16xi32, #tpu.memory_space<vmem>>
    %dma_wait3A_143 = arith.constant 0 : i32
    %dma_wait3A_144 = tpu.memref_slice %arg8[%dma_wait3A_139, %dma_wait3A_143] : memref<4x128xi32, #tpu.memory_space<vmem>> -> memref<1x128xi32, #tpu.memory_space<vmem>>
    %dma_wait3A_145 = tpu.memref_squeeze %dma_wait3A_144 : memref<1x128xi32, #tpu.memory_space<vmem>> -> memref<128xi32, #tpu.memory_space<vmem>>
    %dma_wait3A_146 = arith.constant 0 : i32
    %dma_wait3A_147 = arith.constant 0 : i32
    %dma_wait3A_148 = tpu.memref_slice %arg4[%dma_wait3A_146, %dma_wait3A_147] : memref<1000000x16xi32, #tpu.memory_space<hbm>> -> memref<1000000x16xi32, #tpu.memory_space<hbm>>
    tpu.wait_indirect_dma semaphore(%arg14 : memref<!tpu.dma_semaphore, #tpu.memory_space<semaphore_mem>>) src(%dma_wait3A_148 : memref<1000000x16xi32, #tpu.memory_space<hbm>>) dst(%dma_wait3A_142 : memref<128x16xi32, #tpu.memory_space<vmem>>)
    %dma_wait3A_149 = arith.constant 3 : i32
    %dma_wait3A_150 = arith.constant 384 : i32
    %dma_wait3A_151 = arith.constant 0 : i32
    %dma_wait3A_152 = tpu.memref_slice %arg11[%dma_wait3A_150, %dma_wait3A_151] : memref<512x16xi32, #tpu.memory_space<vmem>> -> memref<128x16xi32, #tpu.memory_space<vmem>>
    %dma_wait3A_153 = arith.constant 0 : i32
    %dma_wait3A_154 = tpu.memref_slice %arg9[%dma_wait3A_149, %dma_wait3A_153] : memref<4x128xi32, #tpu.memory_space<vmem>> -> memref<1x128xi32, #tpu.memory_space<vmem>>
    %dma_wait3A_155 = tpu.memref_squeeze %dma_wait3A_154 : memref<1x128xi32, #tpu.memory_space<vmem>> -> memref<128xi32, #tpu.memory_space<vmem>>
    %dma_wait3A_156 = arith.constant 0 : i32
    %dma_wait3A_157 = arith.constant 0 : i32
    %dma_wait3A_158 = tpu.memref_slice %arg5[%dma_wait3A_156, %dma_wait3A_157] : memref<1000000x16xi32, #tpu.memory_space<hbm>> -> memref<1000000x16xi32, #tpu.memory_space<hbm>>
    tpu.wait_indirect_dma semaphore(%arg15 : memref<!tpu.dma_semaphore, #tpu.memory_space<semaphore_mem>>) src(%dma_wait3A_158 : memref<1000000x16xi32, #tpu.memory_space<hbm>>) dst(%dma_wait3A_152 : memref<128x16xi32, #tpu.memory_space<vmem>>)
    %iota3A = tpu.iota {dimensions = array<i32: 0>} : vector<16xi32>
    %broadcast_in_dim3A = arith.constant 0.000000e+00 : f32
    %broadcast_in_dim3A_159 = vector.broadcast %broadcast_in_dim3A : f32 to vector<16xf32>
    %scan3A = arith.constant 0 : i32
    %scan3A_160 = arith.constant 32 : i32
    %scan3A_161 = arith.addi %scan3A, %scan3A_160 : i32
    %scan3A_162 = arith.constant 1 : i32
    %scan3A_163:2 = scf.for %scan3A_178 = %scan3A to %scan3A_161 step %scan3A_162 iter_args(%scan3A_179 = %broadcast_in_dim3A_159, %scan3A_180 = %broadcast_in_dim3A_159) -> (vector<16xf32>, vector<16xf32>)  : i32 {
      %mul3A_181 = arith.constant 16 : i32
      %mul3A_182 = arith.muli %scan3A_178, %mul3A_181 : i32
      %add3A_183 = vector.broadcast %mul3A_182 : i32 to vector<16xi32>
      %add3A_184 = arith.addi %add3A_183, %iota3A : vector<16xi32>
      %broadcast_in_dim3A_185 = arith.constant 0.000000e+00 : f32
      %broadcast_in_dim3A_186 = vector.broadcast %broadcast_in_dim3A_185 : f32 to vector<16xf32>
      %broadcast_in_dim3A_187 = arith.constant 0 : i32
      %broadcast_in_dim3A_188 = vector.broadcast %broadcast_in_dim3A_187 : i32 to vector<16xi32>
      %gather3A = tpu.vector_load_idx %arg10[%add3A_184, %broadcast_in_dim3A_188] : memref<512x16xi32, #tpu.memory_space<vmem>>[vector<16xi32>, vector<16xi32>], vector<16xi32>,
      %gather3A_189 = tpu.vector_load_idx %arg11[%add3A_184, %broadcast_in_dim3A_188] : memref<512x16xi32, #tpu.memory_space<vmem>>[vector<16xi32>, vector<16xi32>], vector<16xi32>,
      %bitcast3A = vector.bitcast %gather3A : vector<16xi32> to vector<32xbf16>
      %unpack3A = tpu.unpack_subelements %bitcast3A, 0 {pack_format = #tpu.pack_format<interleaved>} : vector<32xbf16> -> vector<16xf32>
      %unpack3A_190 = tpu.unpack_subelements %bitcast3A, 1 {pack_format = #tpu.pack_format<interleaved>} : vector<32xbf16> -> vector<16xf32>
      %bitcast3A_191 = vector.bitcast %gather3A_189 : vector<16xi32> to vector<32xbf16>
      %unpack3A_192 = tpu.unpack_subelements %bitcast3A_191, 0 {pack_format = #tpu.pack_format<interleaved>} : vector<32xbf16> -> vector<16xf32>
      %unpack3A_193 = tpu.unpack_subelements %bitcast3A_191, 1 {pack_format = #tpu.pack_format<interleaved>} : vector<32xbf16> -> vector<16xf32>
      %mul3A_194 = arith.mulf %unpack3A, %unpack3A_192 : vector<16xf32>
      %add3A_195 = arith.addf %broadcast_in_dim3A_186, %mul3A_194 : vector<16xf32>
      %mul3A_196 = arith.mulf %unpack3A_190, %unpack3A_193 : vector<16xf32>
      %add3A_197 = arith.addf %add3A_195, %mul3A_196 : vector<16xf32>
      %mul3A_198 = arith.mulf %unpack3A, %unpack3A : vector<16xf32>
      %add3A_199 = arith.addf %scan3A_179, %mul3A_198 : vector<16xf32>
      %mul3A_200 = arith.mulf %unpack3A_190, %unpack3A_190 : vector<16xf32>
      %add3A_201 = arith.addf %add3A_199, %mul3A_200 : vector<16xf32>
      %mul3A_202 = arith.mulf %unpack3A_192, %unpack3A_192 : vector<16xf32>
      %add3A_203 = arith.addf %scan3A_180, %mul3A_202 : vector<16xf32>
      %mul3A_204 = arith.mulf %unpack3A_193, %unpack3A_193 : vector<16xf32>
      %add3A_205 = arith.addf %add3A_203, %mul3A_204 : vector<16xf32>
      %broadcast_in_dim3A_206 = arith.constant 1 : i32
      %broadcast_in_dim3A_207 = vector.broadcast %broadcast_in_dim3A_206 : i32 to vector<16xi32>
      %gather3A_208 = tpu.vector_load_idx %arg10[%add3A_184, %broadcast_in_dim3A_207] : memref<512x16xi32, #tpu.memory_space<vmem>>[vector<16xi32>, vector<16xi32>], vector<16xi32>,
      %gather3A_209 = tpu.vector_load_idx %arg11[%add3A_184, %broadcast_in_dim3A_207] : memref<512x16xi32, #tpu.memory_space<vmem>>[vector<16xi32>, vector<16xi32>], vector<16xi32>,
      %bitcast3A_210 = vector.bitcast %gather3A_208 : vector<16xi32> to vector<32xbf16>
      %unpack3A_211 = tpu.unpack_subelements %bitcast3A_210, 0 {pack_format = #tpu.pack_format<interleaved>} : vector<32xbf16> -> vector<16xf32>
      %unpack3A_212 = tpu.unpack_subelements %bitcast3A_210, 1 {pack_format = #tpu.pack_format<interleaved>} : vector<32xbf16> -> vector<16xf32>
      %bitcast3A_213 = vector.bitcast %gather3A_209 : vector<16xi32> to vector<32xbf16>
      %unpack3A_214 = tpu.unpack_subelements %bitcast3A_213, 0 {pack_format = #tpu.pack_format<interleaved>} : vector<32xbf16> -> vector<16xf32>
      %unpack3A_215 = tpu.unpack_subelements %bitcast3A_213, 1 {pack_format = #tpu.pack_format<interleaved>} : vector<32xbf16> -> vector<16xf32>
      %mul3A_216 = arith.mulf %unpack3A_211, %unpack3A_214 : vector<16xf32>
      %add3A_217 = arith.addf %add3A_197, %mul3A_216 : vector<16xf32>
      %mul3A_218 = arith.mulf %unpack3A_212, %unpack3A_215 : vector<16xf32>
      %add3A_219 = arith.addf %add3A_217, %mul3A_218 : vector<16xf32>
      %mul3A_220 = arith.mulf %unpack3A_211, %unpack3A_211 : vector<16xf32>
      %add3A_221 = arith.addf %add3A_201, %mul3A_220 : vector<16xf32>
      %mul3A_222 = arith.mulf %unpack3A_212, %unpack3A_212 : vector<16xf32>
      %add3A_223 = arith.addf %add3A_221, %mul3A_222 : vector<16xf32>
      %mul3A_224 = arith.mulf %unpack3A_214, %unpack3A_214 : vector<16xf32>
      %add3A_225 = arith.addf %add3A_205, %mul3A_224 : vector<16xf32>
      %mul3A_226 = arith.mulf %unpack3A_215, %unpack3A_215 : vector<16xf32>
      %add3A_227 = arith.addf %add3A_225, %mul3A_226 : vector<16xf32>
      %broadcast_in_dim3A_228 = arith.constant 2 : i32
      %broadcast_in_dim3A_229 = vector.broadcast %broadcast_in_dim3A_228 : i32 to vector<16xi32>
      %gather3A_230 = tpu.vector_load_idx %arg10[%add3A_184, %broadcast_in_dim3A_229] : memref<512x16xi32, #tpu.memory_space<vmem>>[vector<16xi32>, vector<16xi32>], vector<16xi32>,
      %gather3A_231 = tpu.vector_load_idx %arg11[%add3A_184, %broadcast_in_dim3A_229] : memref<512x16xi32, #tpu.memory_space<vmem>>[vector<16xi32>, vector<16xi32>], vector<16xi32>,
      %bitcast3A_232 = vector.bitcast %gather3A_230 : vector<16xi32> to vector<32xbf16>
      %unpack3A_233 = tpu.unpack_subelements %bitcast3A_232, 0 {pack_format = #tpu.pack_format<interleaved>} : vector<32xbf16> -> vector<16xf32>
      %unpack3A_234 = tpu.unpack_subelements %bitcast3A_232, 1 {pack_format = #tpu.pack_format<interleaved>} : vector<32xbf16> -> vector<16xf32>
      %bitcast3A_235 = vector.bitcast %gather3A_231 : vector<16xi32> to vector<32xbf16>
      %unpack3A_236 = tpu.unpack_subelements %bitcast3A_235, 0 {pack_format = #tpu.pack_format<interleaved>} : vector<32xbf16> -> vector<16xf32>
      %unpack3A_237 = tpu.unpack_subelements %bitcast3A_235, 1 {pack_format = #tpu.pack_format<interleaved>} : vector<32xbf16> -> vector<16xf32>
      %mul3A_238 = arith.mulf %unpack3A_233, %unpack3A_236 : vector<16xf32>
      %add3A_239 = arith.addf %add3A_219, %mul3A_238 : vector<16xf32>
      %mul3A_240 = arith.mulf %unpack3A_234, %unpack3A_237 : vector<16xf32>
      %add3A_241 = arith.addf %add3A_239, %mul3A_240 : vector<16xf32>
      %mul3A_242 = arith.mulf %unpack3A_233, %unpack3A_233 : vector<16xf32>
      %add3A_243 = arith.addf %add3A_223, %mul3A_242 : vector<16xf32>
      %mul3A_244 = arith.mulf %unpack3A_234, %unpack3A_234 : vector<16xf32>
      %add3A_245 = arith.addf %add3A_243, %mul3A_244 : vector<16xf32>
      %mul3A_246 = arith.mulf %unpack3A_236, %unpack3A_236 : vector<16xf32>
      %add3A_247 = arith.addf %add3A_227, %mul3A_246 : vector<16xf32>
      %mul3A_248 = arith.mulf %unpack3A_237, %unpack3A_237 : vector<16xf32>
      %add3A_249 = arith.addf %add3A_247, %mul3A_248 : vector<16xf32>
      %broadcast_in_dim3A_250 = arith.constant 3 : i32
      %broadcast_in_dim3A_251 = vector.broadcast %broadcast_in_dim3A_250 : i32 to vector<16xi32>
      %gather3A_252 = tpu.vector_load_idx %arg10[%add3A_184, %broadcast_in_dim3A_251] : memref<512x16xi32, #tpu.memory_space<vmem>>[vector<16xi32>, vector<16xi32>], vector<16xi32>,
      %gather3A_253 = tpu.vector_load_idx %arg11[%add3A_184, %broadcast_in_dim3A_251] : memref<512x16xi32, #tpu.memory_space<vmem>>[vector<16xi32>, vector<16xi32>], vector<16xi32>,
      %bitcast3A_254 = vector.bitcast %gather3A_252 : vector<16xi32> to vector<32xbf16>
      %unpack3A_255 = tpu.unpack_subelements %bitcast3A_254, 0 {pack_format = #tpu.pack_format<interleaved>} : vector<32xbf16> -> vector<16xf32>
      %unpack3A_256 = tpu.unpack_subelements %bitcast3A_254, 1 {pack_format = #tpu.pack_format<interleaved>} : vector<32xbf16> -> vector<16xf32>
      %bitcast3A_257 = vector.bitcast %gather3A_253 : vector<16xi32> to vector<32xbf16>
      %unpack3A_258 = tpu.unpack_subelements %bitcast3A_257, 0 {pack_format = #tpu.pack_format<interleaved>} : vector<32xbf16> -> vector<16xf32>
      %unpack3A_259 = tpu.unpack_subelements %bitcast3A_257, 1 {pack_format = #tpu.pack_format<interleaved>} : vector<32xbf16> -> vector<16xf32>
      %mul3A_260 = arith.mulf %unpack3A_255, %unpack3A_258 : vector<16xf32>
      %add3A_261 = arith.addf %add3A_241, %mul3A_260 : vector<16xf32>
      %mul3A_262 = arith.mulf %unpack3A_256, %unpack3A_259 : vector<16xf32>
      %add3A_263 = arith.addf %add3A_261, %mul3A_262 : vector<16xf32>
      %mul3A_264 = arith.mulf %unpack3A_255, %unpack3A_255 : vector<16xf32>
      %add3A_265 = arith.addf %add3A_245, %mul3A_264 : vector<16xf32>
      %mul3A_266 = arith.mulf %unpack3A_256, %unpack3A_256 : vector<16xf32>
      %add3A_267 = arith.addf %add3A_265, %mul3A_266 : vector<16xf32>
      %mul3A_268 = arith.mulf %unpack3A_258, %unpack3A_258 : vector<16xf32>
      %add3A_269 = arith.addf %add3A_249, %mul3A_268 : vector<16xf32>
      %mul3A_270 = arith.mulf %unpack3A_259, %unpack3A_259 : vector<16xf32>
      %add3A_271 = arith.addf %add3A_269, %mul3A_270 : vector<16xf32>
      %broadcast_in_dim3A_272 = arith.constant 4 : i32
      %broadcast_in_dim3A_273 = vector.broadcast %broadcast_in_dim3A_272 : i32 to vector<16xi32>
      %gather3A_274 = tpu.vector_load_idx %arg10[%add3A_184, %broadcast_in_dim3A_273] : memref<512x16xi32, #tpu.memory_space<vmem>>[vector<16xi32>, vector<16xi32>], vector<16xi32>,
      %gather3A_275 = tpu.vector_load_idx %arg11[%add3A_184, %broadcast_in_dim3A_273] : memref<512x16xi32, #tpu.memory_space<vmem>>[vector<16xi32>, vector<16xi32>], vector<16xi32>,
      %bitcast3A_276 = vector.bitcast %gather3A_274 : vector<16xi32> to vector<32xbf16>
      %unpack3A_277 = tpu.unpack_subelements %bitcast3A_276, 0 {pack_format = #tpu.pack_format<interleaved>} : vector<32xbf16> -> vector<16xf32>
      %unpack3A_278 = tpu.unpack_subelements %bitcast3A_276, 1 {pack_format = #tpu.pack_format<interleaved>} : vector<32xbf16> -> vector<16xf32>
      %bitcast3A_279 = vector.bitcast %gather3A_275 : vector<16xi32> to vector<32xbf16>
      %unpack3A_280 = tpu.unpack_subelements %bitcast3A_279, 0 {pack_format = #tpu.pack_format<interleaved>} : vector<32xbf16> -> vector<16xf32>
      %unpack3A_281 = tpu.unpack_subelements %bitcast3A_279, 1 {pack_format = #tpu.pack_format<interleaved>} : vector<32xbf16> -> vector<16xf32>
      %mul3A_282 = arith.mulf %unpack3A_277, %unpack3A_280 : vector<16xf32>
      %add3A_283 = arith.addf %add3A_263, %mul3A_282 : vector<16xf32>
      %mul3A_284 = arith.mulf %unpack3A_278, %unpack3A_281 : vector<16xf32>
      %add3A_285 = arith.addf %add3A_283, %mul3A_284 : vector<16xf32>
      %mul3A_286 = arith.mulf %unpack3A_277, %unpack3A_277 : vector<16xf32>
      %add3A_287 = arith.addf %add3A_267, %mul3A_286 : vector<16xf32>
      %mul3A_288 = arith.mulf %unpack3A_278, %unpack3A_278 : vector<16xf32>
      %add3A_289 = arith.addf %add3A_287, %mul3A_288 : vector<16xf32>
      %mul3A_290 = arith.mulf %unpack3A_280, %unpack3A_280 : vector<16xf32>
      %add3A_291 = arith.addf %add3A_271, %mul3A_290 : vector<16xf32>
      %mul3A_292 = arith.mulf %unpack3A_281, %unpack3A_281 : vector<16xf32>
      %add3A_293 = arith.addf %add3A_291, %mul3A_292 : vector<16xf32>
      %broadcast_in_dim3A_294 = arith.constant 5 : i32
      %broadcast_in_dim3A_295 = vector.broadcast %broadcast_in_dim3A_294 : i32 to vector<16xi32>
      %gather3A_296 = tpu.vector_load_idx %arg10[%add3A_184, %broadcast_in_dim3A_295] : memref<512x16xi32, #tpu.memory_space<vmem>>[vector<16xi32>, vector<16xi32>], vector<16xi32>,
      %gather3A_297 = tpu.vector_load_idx %arg11[%add3A_184, %broadcast_in_dim3A_295] : memref<512x16xi32, #tpu.memory_space<vmem>>[vector<16xi32>, vector<16xi32>], vector<16xi32>,
      %bitcast3A_298 = vector.bitcast %gather3A_296 : vector<16xi32> to vector<32xbf16>
      %unpack3A_299 = tpu.unpack_subelements %bitcast3A_298, 0 {pack_format = #tpu.pack_format<interleaved>} : vector<32xbf16> -> vector<16xf32>
      %unpack3A_300 = tpu.unpack_subelements %bitcast3A_298, 1 {pack_format = #tpu.pack_format<interleaved>} : vector<32xbf16> -> vector<16xf32>
      %bitcast3A_301 = vector.bitcast %gather3A_297 : vector<16xi32> to vector<32xbf16>
      %unpack3A_302 = tpu.unpack_subelements %bitcast3A_301, 0 {pack_format = #tpu.pack_format<interleaved>} : vector<32xbf16> -> vector<16xf32>
      %unpack3A_303 = tpu.unpack_subelements %bitcast3A_301, 1 {pack_format = #tpu.pack_format<interleaved>} : vector<32xbf16> -> vector<16xf32>
      %mul3A_304 = arith.mulf %unpack3A_299, %unpack3A_302 : vector<16xf32>
      %add3A_305 = arith.addf %add3A_285, %mul3A_304 : vector<16xf32>
      %mul3A_306 = arith.mulf %unpack3A_300, %unpack3A_303 : vector<16xf32>
      %add3A_307 = arith.addf %add3A_305, %mul3A_306 : vector<16xf32>
      %mul3A_308 = arith.mulf %unpack3A_299, %unpack3A_299 : vector<16xf32>
      %add3A_309 = arith.addf %add3A_289, %mul3A_308 : vector<16xf32>
      %mul3A_310 = arith.mulf %unpack3A_300, %unpack3A_300 : vector<16xf32>
      %add3A_311 = arith.addf %add3A_309, %mul3A_310 : vector<16xf32>
      %mul3A_312 = arith.mulf %unpack3A_302, %unpack3A_302 : vector<16xf32>
      %add3A_313 = arith.addf %add3A_293, %mul3A_312 : vector<16xf32>
      %mul3A_314 = arith.mulf %unpack3A_303, %unpack3A_303 : vector<16xf32>
      %add3A_315 = arith.addf %add3A_313, %mul3A_314 : vector<16xf32>
      %broadcast_in_dim3A_316 = arith.constant 6 : i32
      %broadcast_in_dim3A_317 = vector.broadcast %broadcast_in_dim3A_316 : i32 to vector<16xi32>
      %gather3A_318 = tpu.vector_load_idx %arg10[%add3A_184, %broadcast_in_dim3A_317] : memref<512x16xi32, #tpu.memory_space<vmem>>[vector<16xi32>, vector<16xi32>], vector<16xi32>,
      %gather3A_319 = tpu.vector_load_idx %arg11[%add3A_184, %broadcast_in_dim3A_317] : memref<512x16xi32, #tpu.memory_space<vmem>>[vector<16xi32>, vector<16xi32>], vector<16xi32>,
      %bitcast3A_320 = vector.bitcast %gather3A_318 : vector<16xi32> to vector<32xbf16>
      %unpack3A_321 = tpu.unpack_subelements %bitcast3A_320, 0 {pack_format = #tpu.pack_format<interleaved>} : vector<32xbf16> -> vector<16xf32>
      %unpack3A_322 = tpu.unpack_subelements %bitcast3A_320, 1 {pack_format = #tpu.pack_format<interleaved>} : vector<32xbf16> -> vector<16xf32>
      %bitcast3A_323 = vector.bitcast %gather3A_319 : vector<16xi32> to vector<32xbf16>
      %unpack3A_324 = tpu.unpack_subelements %bitcast3A_323, 0 {pack_format = #tpu.pack_format<interleaved>} : vector<32xbf16> -> vector<16xf32>
      %unpack3A_325 = tpu.unpack_subelements %bitcast3A_323, 1 {pack_format = #tpu.pack_format<interleaved>} : vector<32xbf16> -> vector<16xf32>
      %mul3A_326 = arith.mulf %unpack3A_321, %unpack3A_324 : vector<16xf32>
      %add3A_327 = arith.addf %add3A_307, %mul3A_326 : vector<16xf32>
      %mul3A_328 = arith.mulf %unpack3A_322, %unpack3A_325 : vector<16xf32>
      %add3A_329 = arith.addf %add3A_327, %mul3A_328 : vector<16xf32>
      %mul3A_330 = arith.mulf %unpack3A_321, %unpack3A_321 : vector<16xf32>
      %add3A_331 = arith.addf %add3A_311, %mul3A_330 : vector<16xf32>
      %mul3A_332 = arith.mulf %unpack3A_322, %unpack3A_322 : vector<16xf32>
      %add3A_333 = arith.addf %add3A_331, %mul3A_332 : vector<16xf32>
      %mul3A_334 = arith.mulf %unpack3A_324, %unpack3A_324 : vector<16xf32>
      %add3A_335 = arith.addf %add3A_315, %mul3A_334 : vector<16xf32>
      %mul3A_336 = arith.mulf %unpack3A_325, %unpack3A_325 : vector<16xf32>
      %add3A_337 = arith.addf %add3A_335, %mul3A_336 : vector<16xf32>
      %broadcast_in_dim3A_338 = arith.constant 7 : i32
      %broadcast_in_dim3A_339 = vector.broadcast %broadcast_in_dim3A_338 : i32 to vector<16xi32>
      %gather3A_340 = tpu.vector_load_idx %arg10[%add3A_184, %broadcast_in_dim3A_339] : memref<512x16xi32, #tpu.memory_space<vmem>>[vector<16xi32>, vector<16xi32>], vector<16xi32>,
      %gather3A_341 = tpu.vector_load_idx %arg11[%add3A_184, %broadcast_in_dim3A_339] : memref<512x16xi32, #tpu.memory_space<vmem>>[vector<16xi32>, vector<16xi32>], vector<16xi32>,
      %bitcast3A_342 = vector.bitcast %gather3A_340 : vector<16xi32> to vector<32xbf16>
      %unpack3A_343 = tpu.unpack_subelements %bitcast3A_342, 0 {pack_format = #tpu.pack_format<interleaved>} : vector<32xbf16> -> vector<16xf32>
      %unpack3A_344 = tpu.unpack_subelements %bitcast3A_342, 1 {pack_format = #tpu.pack_format<interleaved>} : vector<32xbf16> -> vector<16xf32>
      %bitcast3A_345 = vector.bitcast %gather3A_341 : vector<16xi32> to vector<32xbf16>
      %unpack3A_346 = tpu.unpack_subelements %bitcast3A_345, 0 {pack_format = #tpu.pack_format<interleaved>} : vector<32xbf16> -> vector<16xf32>
      %unpack3A_347 = tpu.unpack_subelements %bitcast3A_345, 1 {pack_format = #tpu.pack_format<interleaved>} : vector<32xbf16> -> vector<16xf32>
      %mul3A_348 = arith.mulf %unpack3A_343, %unpack3A_346 : vector<16xf32>
      %add3A_349 = arith.addf %add3A_329, %mul3A_348 : vector<16xf32>
      %mul3A_350 = arith.mulf %unpack3A_344, %unpack3A_347 : vector<16xf32>
      %add3A_351 = arith.addf %add3A_349, %mul3A_350 : vector<16xf32>
      %mul3A_352 = arith.mulf %unpack3A_343, %unpack3A_343 : vector<16xf32>
      %add3A_353 = arith.addf %add3A_333, %mul3A_352 : vector<16xf32>
      %mul3A_354 = arith.mulf %unpack3A_344, %unpack3A_344 : vector<16xf32>
      %add3A_355 = arith.addf %add3A_353, %mul3A_354 : vector<16xf32>
      %mul3A_356 = arith.mulf %unpack3A_346, %unpack3A_346 : vector<16xf32>
      %add3A_357 = arith.addf %add3A_337, %mul3A_356 : vector<16xf32>
      %mul3A_358 = arith.mulf %unpack3A_347, %unpack3A_347 : vector<16xf32>
      %add3A_359 = arith.addf %add3A_357, %mul3A_358 : vector<16xf32>
      %broadcast_in_dim3A_360 = arith.constant 8 : i32
      %broadcast_in_dim3A_361 = vector.broadcast %broadcast_in_dim3A_360 : i32 to vector<16xi32>
      %gather3A_362 = tpu.vector_load_idx %arg10[%add3A_184, %broadcast_in_dim3A_361] : memref<512x16xi32, #tpu.memory_space<vmem>>[vector<16xi32>, vector<16xi32>], vector<16xi32>,
      %gather3A_363 = tpu.vector_load_idx %arg11[%add3A_184, %broadcast_in_dim3A_361] : memref<512x16xi32, #tpu.memory_space<vmem>>[vector<16xi32>, vector<16xi32>], vector<16xi32>,
      %bitcast3A_364 = vector.bitcast %gather3A_362 : vector<16xi32> to vector<32xbf16>
      %unpack3A_365 = tpu.unpack_subelements %bitcast3A_364, 0 {pack_format = #tpu.pack_format<interleaved>} : vector<32xbf16> -> vector<16xf32>
      %unpack3A_366 = tpu.unpack_subelements %bitcast3A_364, 1 {pack_format = #tpu.pack_format<interleaved>} : vector<32xbf16> -> vector<16xf32>
      %bitcast3A_367 = vector.bitcast %gather3A_363 : vector<16xi32> to vector<32xbf16>
      %unpack3A_368 = tpu.unpack_subelements %bitcast3A_367, 0 {pack_format = #tpu.pack_format<interleaved>} : vector<32xbf16> -> vector<16xf32>
      %unpack3A_369 = tpu.unpack_subelements %bitcast3A_367, 1 {pack_format = #tpu.pack_format<interleaved>} : vector<32xbf16> -> vector<16xf32>
      %mul3A_370 = arith.mulf %unpack3A_365, %unpack3A_368 : vector<16xf32>
      %add3A_371 = arith.addf %add3A_351, %mul3A_370 : vector<16xf32>
      %mul3A_372 = arith.mulf %unpack3A_366, %unpack3A_369 : vector<16xf32>
      %add3A_373 = arith.addf %add3A_371, %mul3A_372 : vector<16xf32>
      %mul3A_374 = arith.mulf %unpack3A_365, %unpack3A_365 : vector<16xf32>
      %add3A_375 = arith.addf %add3A_355, %mul3A_374 : vector<16xf32>
      %mul3A_376 = arith.mulf %unpack3A_366, %unpack3A_366 : vector<16xf32>
      %add3A_377 = arith.addf %add3A_375, %mul3A_376 : vector<16xf32>
      %mul3A_378 = arith.mulf %unpack3A_368, %unpack3A_368 : vector<16xf32>
      %add3A_379 = arith.addf %add3A_359, %mul3A_378 : vector<16xf32>
      %mul3A_380 = arith.mulf %unpack3A_369, %unpack3A_369 : vector<16xf32>
      %add3A_381 = arith.addf %add3A_379, %mul3A_380 : vector<16xf32>
      %broadcast_in_dim3A_382 = arith.constant 9 : i32
      %broadcast_in_dim3A_383 = vector.broadcast %broadcast_in_dim3A_382 : i32 to vector<16xi32>
      %gather3A_384 = tpu.vector_load_idx %arg10[%add3A_184, %broadcast_in_dim3A_383] : memref<512x16xi32, #tpu.memory_space<vmem>>[vector<16xi32>, vector<16xi32>], vector<16xi32>,
      %gather3A_385 = tpu.vector_load_idx %arg11[%add3A_184, %broadcast_in_dim3A_383] : memref<512x16xi32, #tpu.memory_space<vmem>>[vector<16xi32>, vector<16xi32>], vector<16xi32>,
      %bitcast3A_386 = vector.bitcast %gather3A_384 : vector<16xi32> to vector<32xbf16>
      %unpack3A_387 = tpu.unpack_subelements %bitcast3A_386, 0 {pack_format = #tpu.pack_format<interleaved>} : vector<32xbf16> -> vector<16xf32>
      %unpack3A_388 = tpu.unpack_subelements %bitcast3A_386, 1 {pack_format = #tpu.pack_format<interleaved>} : vector<32xbf16> -> vector<16xf32>
      %bitcast3A_389 = vector.bitcast %gather3A_385 : vector<16xi32> to vector<32xbf16>
      %unpack3A_390 = tpu.unpack_subelements %bitcast3A_389, 0 {pack_format = #tpu.pack_format<interleaved>} : vector<32xbf16> -> vector<16xf32>
      %unpack3A_391 = tpu.unpack_subelements %bitcast3A_389, 1 {pack_format = #tpu.pack_format<interleaved>} : vector<32xbf16> -> vector<16xf32>
      %mul3A_392 = arith.mulf %unpack3A_387, %unpack3A_390 : vector<16xf32>
      %add3A_393 = arith.addf %add3A_373, %mul3A_392 : vector<16xf32>
      %mul3A_394 = arith.mulf %unpack3A_388, %unpack3A_391 : vector<16xf32>
      %add3A_395 = arith.addf %add3A_393, %mul3A_394 : vector<16xf32>
      %mul3A_396 = arith.mulf %unpack3A_387, %unpack3A_387 : vector<16xf32>
      %add3A_397 = arith.addf %add3A_377, %mul3A_396 : vector<16xf32>
      %mul3A_398 = arith.mulf %unpack3A_388, %unpack3A_388 : vector<16xf32>
      %add3A_399 = arith.addf %add3A_397, %mul3A_398 : vector<16xf32>
      %mul3A_400 = arith.mulf %unpack3A_390, %unpack3A_390 : vector<16xf32>
      %add3A_401 = arith.addf %add3A_381, %mul3A_400 : vector<16xf32>
      %mul3A_402 = arith.mulf %unpack3A_391, %unpack3A_391 : vector<16xf32>
      %add3A_403 = arith.addf %add3A_401, %mul3A_402 : vector<16xf32>
      %broadcast_in_dim3A_404 = arith.constant 10 : i32
      %broadcast_in_dim3A_405 = vector.broadcast %broadcast_in_dim3A_404 : i32 to vector<16xi32>
      %gather3A_406 = tpu.vector_load_idx %arg10[%add3A_184, %broadcast_in_dim3A_405] : memref<512x16xi32, #tpu.memory_space<vmem>>[vector<16xi32>, vector<16xi32>], vector<16xi32>,
      %gather3A_407 = tpu.vector_load_idx %arg11[%add3A_184, %broadcast_in_dim3A_405] : memref<512x16xi32, #tpu.memory_space<vmem>>[vector<16xi32>, vector<16xi32>], vector<16xi32>,
      %bitcast3A_408 = vector.bitcast %gather3A_406 : vector<16xi32> to vector<32xbf16>
      %unpack3A_409 = tpu.unpack_subelements %bitcast3A_408, 0 {pack_format = #tpu.pack_format<interleaved>} : vector<32xbf16> -> vector<16xf32>
      %unpack3A_410 = tpu.unpack_subelements %bitcast3A_408, 1 {pack_format = #tpu.pack_format<interleaved>} : vector<32xbf16> -> vector<16xf32>
      %bitcast3A_411 = vector.bitcast %gather3A_407 : vector<16xi32> to vector<32xbf16>
      %unpack3A_412 = tpu.unpack_subelements %bitcast3A_411, 0 {pack_format = #tpu.pack_format<interleaved>} : vector<32xbf16> -> vector<16xf32>
      %unpack3A_413 = tpu.unpack_subelements %bitcast3A_411, 1 {pack_format = #tpu.pack_format<interleaved>} : vector<32xbf16> -> vector<16xf32>
      %mul3A_414 = arith.mulf %unpack3A_409, %unpack3A_412 : vector<16xf32>
      %add3A_415 = arith.addf %add3A_395, %mul3A_414 : vector<16xf32>
      %mul3A_416 = arith.mulf %unpack3A_410, %unpack3A_413 : vector<16xf32>
      %add3A_417 = arith.addf %add3A_415, %mul3A_416 : vector<16xf32>
      %mul3A_418 = arith.mulf %unpack3A_409, %unpack3A_409 : vector<16xf32>
      %add3A_419 = arith.addf %add3A_399, %mul3A_418 : vector<16xf32>
      %mul3A_420 = arith.mulf %unpack3A_410, %unpack3A_410 : vector<16xf32>
      %add3A_421 = arith.addf %add3A_419, %mul3A_420 : vector<16xf32>
      %mul3A_422 = arith.mulf %unpack3A_412, %unpack3A_412 : vector<16xf32>
      %add3A_423 = arith.addf %add3A_403, %mul3A_422 : vector<16xf32>
      %mul3A_424 = arith.mulf %unpack3A_413, %unpack3A_413 : vector<16xf32>
      %add3A_425 = arith.addf %add3A_423, %mul3A_424 : vector<16xf32>
      %broadcast_in_dim3A_426 = arith.constant 11 : i32
      %broadcast_in_dim3A_427 = vector.broadcast %broadcast_in_dim3A_426 : i32 to vector<16xi32>
      %gather3A_428 = tpu.vector_load_idx %arg10[%add3A_184, %broadcast_in_dim3A_427] : memref<512x16xi32, #tpu.memory_space<vmem>>[vector<16xi32>, vector<16xi32>], vector<16xi32>,
      %gather3A_429 = tpu.vector_load_idx %arg11[%add3A_184, %broadcast_in_dim3A_427] : memref<512x16xi32, #tpu.memory_space<vmem>>[vector<16xi32>, vector<16xi32>], vector<16xi32>,
      %bitcast3A_430 = vector.bitcast %gather3A_428 : vector<16xi32> to vector<32xbf16>
      %unpack3A_431 = tpu.unpack_subelements %bitcast3A_430, 0 {pack_format = #tpu.pack_format<interleaved>} : vector<32xbf16> -> vector<16xf32>
      %unpack3A_432 = tpu.unpack_subelements %bitcast3A_430, 1 {pack_format = #tpu.pack_format<interleaved>} : vector<32xbf16> -> vector<16xf32>
      %bitcast3A_433 = vector.bitcast %gather3A_429 : vector<16xi32> to vector<32xbf16>
      %unpack3A_434 = tpu.unpack_subelements %bitcast3A_433, 0 {pack_format = #tpu.pack_format<interleaved>} : vector<32xbf16> -> vector<16xf32>
      %unpack3A_435 = tpu.unpack_subelements %bitcast3A_433, 1 {pack_format = #tpu.pack_format<interleaved>} : vector<32xbf16> -> vector<16xf32>
      %mul3A_436 = arith.mulf %unpack3A_431, %unpack3A_434 : vector<16xf32>
      %add3A_437 = arith.addf %add3A_417, %mul3A_436 : vector<16xf32>
      %mul3A_438 = arith.mulf %unpack3A_432, %unpack3A_435 : vector<16xf32>
      %add3A_439 = arith.addf %add3A_437, %mul3A_438 : vector<16xf32>
      %mul3A_440 = arith.mulf %unpack3A_431, %unpack3A_431 : vector<16xf32>
      %add3A_441 = arith.addf %add3A_421, %mul3A_440 : vector<16xf32>
      %mul3A_442 = arith.mulf %unpack3A_432, %unpack3A_432 : vector<16xf32>
      %add3A_443 = arith.addf %add3A_441, %mul3A_442 : vector<16xf32>
      %mul3A_444 = arith.mulf %unpack3A_434, %unpack3A_434 : vector<16xf32>
      %add3A_445 = arith.addf %add3A_425, %mul3A_444 : vector<16xf32>
      %mul3A_446 = arith.mulf %unpack3A_435, %unpack3A_435 : vector<16xf32>
      %add3A_447 = arith.addf %add3A_445, %mul3A_446 : vector<16xf32>
      %broadcast_in_dim3A_448 = arith.constant 12 : i32
      %broadcast_in_dim3A_449 = vector.broadcast %broadcast_in_dim3A_448 : i32 to vector<16xi32>
      %gather3A_450 = tpu.vector_load_idx %arg10[%add3A_184, %broadcast_in_dim3A_449] : memref<512x16xi32, #tpu.memory_space<vmem>>[vector<16xi32>, vector<16xi32>], vector<16xi32>,
      %gather3A_451 = tpu.vector_load_idx %arg11[%add3A_184, %broadcast_in_dim3A_449] : memref<512x16xi32, #tpu.memory_space<vmem>>[vector<16xi32>, vector<16xi32>], vector<16xi32>,
      %bitcast3A_452 = vector.bitcast %gather3A_450 : vector<16xi32> to vector<32xbf16>
      %unpack3A_453 = tpu.unpack_subelements %bitcast3A_452, 0 {pack_format = #tpu.pack_format<interleaved>} : vector<32xbf16> -> vector<16xf32>
      %unpack3A_454 = tpu.unpack_subelements %bitcast3A_452, 1 {pack_format = #tpu.pack_format<interleaved>} : vector<32xbf16> -> vector<16xf32>
      %bitcast3A_455 = vector.bitcast %gather3A_451 : vector<16xi32> to vector<32xbf16>
      %unpack3A_456 = tpu.unpack_subelements %bitcast3A_455, 0 {pack_format = #tpu.pack_format<interleaved>} : vector<32xbf16> -> vector<16xf32>
      %unpack3A_457 = tpu.unpack_subelements %bitcast3A_455, 1 {pack_format = #tpu.pack_format<interleaved>} : vector<32xbf16> -> vector<16xf32>
      %mul3A_458 = arith.mulf %unpack3A_453, %unpack3A_456 : vector<16xf32>
      %add3A_459 = arith.addf %add3A_439, %mul3A_458 : vector<16xf32>
      %mul3A_460 = arith.mulf %unpack3A_454, %unpack3A_457 : vector<16xf32>
      %add3A_461 = arith.addf %add3A_459, %mul3A_460 : vector<16xf32>
      %mul3A_462 = arith.mulf %unpack3A_453, %unpack3A_453 : vector<16xf32>
      %add3A_463 = arith.addf %add3A_443, %mul3A_462 : vector<16xf32>
      %mul3A_464 = arith.mulf %unpack3A_454, %unpack3A_454 : vector<16xf32>
      %add3A_465 = arith.addf %add3A_463, %mul3A_464 : vector<16xf32>
      %mul3A_466 = arith.mulf %unpack3A_456, %unpack3A_456 : vector<16xf32>
      %add3A_467 = arith.addf %add3A_447, %mul3A_466 : vector<16xf32>
      %mul3A_468 = arith.mulf %unpack3A_457, %unpack3A_457 : vector<16xf32>
      %add3A_469 = arith.addf %add3A_467, %mul3A_468 : vector<16xf32>
      %broadcast_in_dim3A_470 = arith.constant 13 : i32
      %broadcast_in_dim3A_471 = vector.broadcast %broadcast_in_dim3A_470 : i32 to vector<16xi32>
      %gather3A_472 = tpu.vector_load_idx %arg10[%add3A_184, %broadcast_in_dim3A_471] : memref<512x16xi32, #tpu.memory_space<vmem>>[vector<16xi32>, vector<16xi32>], vector<16xi32>,
      %gather3A_473 = tpu.vector_load_idx %arg11[%add3A_184, %broadcast_in_dim3A_471] : memref<512x16xi32, #tpu.memory_space<vmem>>[vector<16xi32>, vector<16xi32>], vector<16xi32>,
      %bitcast3A_474 = vector.bitcast %gather3A_472 : vector<16xi32> to vector<32xbf16>
      %unpack3A_475 = tpu.unpack_subelements %bitcast3A_474, 0 {pack_format = #tpu.pack_format<interleaved>} : vector<32xbf16> -> vector<16xf32>
      %unpack3A_476 = tpu.unpack_subelements %bitcast3A_474, 1 {pack_format = #tpu.pack_format<interleaved>} : vector<32xbf16> -> vector<16xf32>
      %bitcast3A_477 = vector.bitcast %gather3A_473 : vector<16xi32> to vector<32xbf16>
      %unpack3A_478 = tpu.unpack_subelements %bitcast3A_477, 0 {pack_format = #tpu.pack_format<interleaved>} : vector<32xbf16> -> vector<16xf32>
      %unpack3A_479 = tpu.unpack_subelements %bitcast3A_477, 1 {pack_format = #tpu.pack_format<interleaved>} : vector<32xbf16> -> vector<16xf32>
      %mul3A_480 = arith.mulf %unpack3A_475, %unpack3A_478 : vector<16xf32>
      %add3A_481 = arith.addf %add3A_461, %mul3A_480 : vector<16xf32>
      %mul3A_482 = arith.mulf %unpack3A_476, %unpack3A_479 : vector<16xf32>
      %add3A_483 = arith.addf %add3A_481, %mul3A_482 : vector<16xf32>
      %mul3A_484 = arith.mulf %unpack3A_475, %unpack3A_475 : vector<16xf32>
      %add3A_485 = arith.addf %add3A_465, %mul3A_484 : vector<16xf32>
      %mul3A_486 = arith.mulf %unpack3A_476, %unpack3A_476 : vector<16xf32>
      %add3A_487 = arith.addf %add3A_485, %mul3A_486 : vector<16xf32>
      %mul3A_488 = arith.mulf %unpack3A_478, %unpack3A_478 : vector<16xf32>
      %add3A_489 = arith.addf %add3A_469, %mul3A_488 : vector<16xf32>
      %mul3A_490 = arith.mulf %unpack3A_479, %unpack3A_479 : vector<16xf32>
      %add3A_491 = arith.addf %add3A_489, %mul3A_490 : vector<16xf32>
      %broadcast_in_dim3A_492 = arith.constant 14 : i32
      %broadcast_in_dim3A_493 = vector.broadcast %broadcast_in_dim3A_492 : i32 to vector<16xi32>
      %gather3A_494 = tpu.vector_load_idx %arg10[%add3A_184, %broadcast_in_dim3A_493] : memref<512x16xi32, #tpu.memory_space<vmem>>[vector<16xi32>, vector<16xi32>], vector<16xi32>,
      %gather3A_495 = tpu.vector_load_idx %arg11[%add3A_184, %broadcast_in_dim3A_493] : memref<512x16xi32, #tpu.memory_space<vmem>>[vector<16xi32>, vector<16xi32>], vector<16xi32>,
      %bitcast3A_496 = vector.bitcast %gather3A_494 : vector<16xi32> to vector<32xbf16>
      %unpack3A_497 = tpu.unpack_subelements %bitcast3A_496, 0 {pack_format = #tpu.pack_format<interleaved>} : vector<32xbf16> -> vector<16xf32>
      %unpack3A_498 = tpu.unpack_subelements %bitcast3A_496, 1 {pack_format = #tpu.pack_format<interleaved>} : vector<32xbf16> -> vector<16xf32>
      %bitcast3A_499 = vector.bitcast %gather3A_495 : vector<16xi32> to vector<32xbf16>
      %unpack3A_500 = tpu.unpack_subelements %bitcast3A_499, 0 {pack_format = #tpu.pack_format<interleaved>} : vector<32xbf16> -> vector<16xf32>
      %unpack3A_501 = tpu.unpack_subelements %bitcast3A_499, 1 {pack_format = #tpu.pack_format<interleaved>} : vector<32xbf16> -> vector<16xf32>
      %mul3A_502 = arith.mulf %unpack3A_497, %unpack3A_500 : vector<16xf32>
      %add3A_503 = arith.addf %add3A_483, %mul3A_502 : vector<16xf32>
      %mul3A_504 = arith.mulf %unpack3A_498, %unpack3A_501 : vector<16xf32>
      %add3A_505 = arith.addf %add3A_503, %mul3A_504 : vector<16xf32>
      %mul3A_506 = arith.mulf %unpack3A_497, %unpack3A_497 : vector<16xf32>
      %add3A_507 = arith.addf %add3A_487, %mul3A_506 : vector<16xf32>
      %mul3A_508 = arith.mulf %unpack3A_498, %unpack3A_498 : vector<16xf32>
      %add3A_509 = arith.addf %add3A_507, %mul3A_508 : vector<16xf32>
      %mul3A_510 = arith.mulf %unpack3A_500, %unpack3A_500 : vector<16xf32>
      %add3A_511 = arith.addf %add3A_491, %mul3A_510 : vector<16xf32>
      %mul3A_512 = arith.mulf %unpack3A_501, %unpack3A_501 : vector<16xf32>
      %add3A_513 = arith.addf %add3A_511, %mul3A_512 : vector<16xf32>
      %broadcast_in_dim3A_514 = arith.constant 15 : i32
      %broadcast_in_dim3A_515 = vector.broadcast %broadcast_in_dim3A_514 : i32 to vector<16xi32>
      %gather3A_516 = tpu.vector_load_idx %arg10[%add3A_184, %broadcast_in_dim3A_515] : memref<512x16xi32, #tpu.memory_space<vmem>>[vector<16xi32>, vector<16xi32>], vector<16xi32>,
      %gather3A_517 = tpu.vector_load_idx %arg11[%add3A_184, %broadcast_in_dim3A_515] : memref<512x16xi32, #tpu.memory_space<vmem>>[vector<16xi32>, vector<16xi32>], vector<16xi32>,
      %bitcast3A_518 = vector.bitcast %gather3A_516 : vector<16xi32> to vector<32xbf16>
      %unpack3A_519 = tpu.unpack_subelements %bitcast3A_518, 0 {pack_format = #tpu.pack_format<interleaved>} : vector<32xbf16> -> vector<16xf32>
      %unpack3A_520 = tpu.unpack_subelements %bitcast3A_518, 1 {pack_format = #tpu.pack_format<interleaved>} : vector<32xbf16> -> vector<16xf32>
      %bitcast3A_521 = vector.bitcast %gather3A_517 : vector<16xi32> to vector<32xbf16>
      %unpack3A_522 = tpu.unpack_subelements %bitcast3A_521, 0 {pack_format = #tpu.pack_format<interleaved>} : vector<32xbf16> -> vector<16xf32>
      %unpack3A_523 = tpu.unpack_subelements %bitcast3A_521, 1 {pack_format = #tpu.pack_format<interleaved>} : vector<32xbf16> -> vector<16xf32>
      %mul3A_524 = arith.mulf %unpack3A_519, %unpack3A_522 : vector<16xf32>
      %add3A_525 = arith.addf %add3A_505, %mul3A_524 : vector<16xf32>
      %mul3A_526 = arith.mulf %unpack3A_520, %unpack3A_523 : vector<16xf32>
      %add3A_527 = arith.addf %add3A_525, %mul3A_526 : vector<16xf32>
      %mul3A_528 = arith.mulf %unpack3A_519, %unpack3A_519 : vector<16xf32>
      %add3A_529 = arith.addf %add3A_509, %mul3A_528 : vector<16xf32>
      %mul3A_530 = arith.mulf %unpack3A_520, %unpack3A_520 : vector<16xf32>
      %add3A_531 = arith.addf %add3A_529, %mul3A_530 : vector<16xf32>
      %mul3A_532 = arith.mulf %unpack3A_522, %unpack3A_522 : vector<16xf32>
      %add3A_533 = arith.addf %add3A_513, %mul3A_532 : vector<16xf32>
      %mul3A_534 = arith.mulf %unpack3A_523, %unpack3A_523 : vector<16xf32>
      %add3A_535 = arith.addf %add3A_533, %mul3A_534 : vector<16xf32>
      %swap3A_536 = arith.index_cast %mul3A_182 : i32 to index
      %swap3A_537 = tpu.vector_load %arg12[%swap3A_536] {strides = array<i32>} : memref<512xf32, #tpu.memory_space<vmem>>, vector<16xf32>,
      tpu.vector_store %arg12[%swap3A_536], %add3A_527 {strides = array<i32>} : memref<512xf32, #tpu.memory_space<vmem>>, vector<16xf32>,
      scf.yield %add3A_531, %add3A_535 : vector<16xf32>, vector<16xf32>
    }
    %scan3A_164 = arith.constant 32 : i32
    %mul3A_165 = arith.constant 1.000000e-03 : f32
    %mul3A_166 = vector.broadcast %mul3A_165 : f32 to vector<16xf32>
    %mul3A_167 = arith.mulf %scan3A_163#0, %mul3A_166 : vector<16xf32>
    %swap3A = arith.constant 0 : i32
    %swap3A_168 = arith.index_cast %swap3A : i32 to index
    %swap3A_169 = arith.constant 0 : index
    %swap3A_170 = tpu.vector_load %arg13[%swap3A_168, %swap3A_169] {strides = array<i32>} : memref<2x16xf32, #tpu.memory_space<vmem>>, vector<16xf32>,
    tpu.vector_store %arg13[%swap3A_168, %swap3A_169], %mul3A_167 {strides = array<i32>} : memref<2x16xf32, #tpu.memory_space<vmem>>, vector<16xf32>,
    %mul3A_171 = arith.constant 1.000000e-03 : f32
    %mul3A_172 = vector.broadcast %mul3A_171 : f32 to vector<16xf32>
    %mul3A_173 = arith.mulf %scan3A_163#1, %mul3A_172 : vector<16xf32>
    %swap3A_174 = arith.constant 1 : i32
    %swap3A_175 = arith.index_cast %swap3A_174 : i32 to index
    %swap3A_176 = arith.constant 0 : index
    %swap3A_177 = tpu.vector_load %arg13[%swap3A_175, %swap3A_176] {strides = array<i32>} : memref<2x16xf32, #tpu.memory_space<vmem>>, vector<16xf32>,
    tpu.vector_store %arg13[%swap3A_175, %swap3A_176], %mul3A_173 {strides = array<i32>} : memref<2x16xf32, #tpu.memory_space<vmem>>, vector<16xf32>,
    "tpu.region"() ({
      %run_scoped3A = tpu.sem_alloc : memref<!tpu.dma_semaphore, #tpu.memory_space<semaphore_mem>>
      %dma_start3A_178 = arith.constant 0 : i32
      %dma_start3A_179 = tpu.memref_slice %arg6[%add3A, %dma_start3A_178] : memref<32x512xf32, #tpu.memory_space<hbm>> -> memref<1x512xf32, #tpu.memory_space<hbm>>
      %dma_start3A_180 = tpu.memref_squeeze %dma_start3A_179 : memref<1x512xf32, #tpu.memory_space<hbm>> -> memref<512xf32, #tpu.memory_space<hbm>>
      %dma_start3A_181 = arith.constant 0 : i32
      %dma_start3A_182 = tpu.memref_slice %arg6[%add3A, %dma_start3A_181] : memref<32x512xf32, #tpu.memory_space<hbm>> -> memref<1x512xf32, #tpu.memory_space<hbm>>
      %dma_start3A_183 = tpu.memref_squeeze %dma_start3A_182 : memref<1x512xf32, #tpu.memory_space<hbm>> -> memref<512xf32, #tpu.memory_space<hbm>>
      tpu.enqueue_dma source(%arg12 : memref<512xf32, #tpu.memory_space<vmem>>) target(%dma_start3A_183 : memref<512xf32, #tpu.memory_space<hbm>>) target_semaphore(%run_scoped3A : memref<!tpu.dma_semaphore, #tpu.memory_space<semaphore_mem>>)
      %dma_wait3A_184 = arith.constant 0 : i32
      %dma_wait3A_185 = tpu.memref_slice %arg6[%add3A, %dma_wait3A_184] : memref<32x512xf32, #tpu.memory_space<hbm>> -> memref<1x512xf32, #tpu.memory_space<hbm>>
      %dma_wait3A_186 = tpu.memref_squeeze %dma_wait3A_185 : memref<1x512xf32, #tpu.memory_space<hbm>> -> memref<512xf32, #tpu.memory_space<hbm>>
      %dma_wait3A_187 = arith.constant 0 : i32
      %dma_wait3A_188 = tpu.memref_slice %arg6[%add3A, %dma_wait3A_187] : memref<32x512xf32, #tpu.memory_space<hbm>> -> memref<1x512xf32, #tpu.memory_space<hbm>>
      %dma_wait3A_189 = tpu.memref_squeeze %dma_wait3A_188 : memref<1x512xf32, #tpu.memory_space<hbm>> -> memref<512xf32, #tpu.memory_space<hbm>>
      tpu.wait_dma2 semaphore(%run_scoped3A : memref<!tpu.dma_semaphore, #tpu.memory_space<semaphore_mem>>) src(%arg12 : memref<512xf32, #tpu.memory_space<vmem>>) dst(%dma_wait3A_189 : memref<512xf32, #tpu.memory_space<hbm>>)
      tpu.yield
    }) : () -> ()
    "tpu.region"() ({
      %run_scoped3A = tpu.sem_alloc : memref<!tpu.dma_semaphore, #tpu.memory_space<semaphore_mem>>
      %dma_start3A_178 = arith.constant 0 : i32
      %dma_start3A_179 = arith.constant 0 : i32
      %dma_start3A_180 = tpu.memref_slice %arg7[%add3A, %dma_start3A_178, %dma_start3A_179] : memref<32x2x16xf32, #tpu.memory_space<hbm>> -> memref<1x2x16xf32, #tpu.memory_space<hbm>>
      %dma_start3A_181 = tpu.memref_squeeze %dma_start3A_180 : memref<1x2x16xf32, #tpu.memory_space<hbm>> -> memref<2x16xf32, #tpu.memory_space<hbm>>
      %dma_start3A_182 = arith.constant 0 : i32
      %dma_start3A_183 = arith.constant 0 : i32
      %dma_start3A_184 = tpu.memref_slice %arg7[%add3A, %dma_start3A_182, %dma_start3A_183] : memref<32x2x16xf32, #tpu.memory_space<hbm>> -> memref<1x2x16xf32, #tpu.memory_space<hbm>>
      %dma_start3A_185 = tpu.memref_squeeze %dma_start3A_184 : memref<1x2x16xf32, #tpu.memory_space<hbm>> -> memref<2x16xf32, #tpu.memory_space<hbm>>
      tpu.enqueue_dma source(%arg13 : memref<2x16xf32, #tpu.memory_space<vmem>>) target(%dma_start3A_185 : memref<2x16xf32, #tpu.memory_space<hbm>>) target_semaphore(%run_scoped3A : memref<!tpu.dma_semaphore, #tpu.memory_space<semaphore_mem>>)
      %dma_wait3A_186 = arith.constant 0 : i32
      %dma_wait3A_187 = arith.constant 0 : i32
      %dma_wait3A_188 = tpu.memref_slice %arg7[%add3A, %dma_wait3A_186, %dma_wait3A_187] : memref<32x2x16xf32, #tpu.memory_space<hbm>> -> memref<1x2x16xf32, #tpu.memory_space<hbm>>
      %dma_wait3A_189 = tpu.memref_squeeze %dma_wait3A_188 : memref<1x2x16xf32, #tpu.memory_space<hbm>> -> memref<2x16xf32, #tpu.memory_space<hbm>>
      %dma_wait3A_190 = arith.constant 0 : i32
      %dma_wait3A_191 = arith.constant 0 : i32
      %dma_wait3A_192 = tpu.memref_slice %arg7[%add3A, %dma_wait3A_190, %dma_wait3A_191] : memref<32x2x16xf32, #tpu.memory_space<hbm>> -> memref<1x2x16xf32, #tpu.memory_space<hbm>>
      %dma_wait3A_193 = tpu.memref_squeeze %dma_wait3A_192 : memref<1x2x16xf32, #tpu.memory_space<hbm>> -> memref<2x16xf32, #tpu.memory_space<hbm>>
      tpu.wait_dma2 semaphore(%run_scoped3A : memref<!tpu.dma_semaphore, #tpu.memory_space<semaphore_mem>>) src(%arg13 : memref<2x16xf32, #tpu.memory_space<vmem>>) dst(%dma_wait3A_193 : memref<2x16xf32, #tpu.memory_space<hbm>>)
      tpu.yield
    }) : () -> ()
    return
  }
}

</mosaic_0001>

<sc_bundles>
// kernel: kernel.3.cloned.1.call-start
scs
__scs_entry_jumppad:
0x0: {  	(pc) =	sbr.rel $0x88, $3  }
0x1: {  	(tag) =	ssettag $0x0;
	lr =	simm.s32 $0x1  }
0x2: {  	[smem:$0x3F9D] =	sst lr;
	_ =	strace $0xD0000000  }
0x3: {  	_ = 	snop  }
0x4: {  	_ = 	snop  }
0x5: {  	_ = 	snop  }
0x6: {  	_ = 	snop  }
0x7: {  	_ = 	snop  }
__scs_overlays_trampoline_lowered:
0x8: {  	[smem:$0x3FAC] =	sst s0  }
0x9: {  	[smem:$0x3FAD] =	sst s1  }
0xa: {  	[smem:$0x3FAE] =	sst s2  }
0xb: {  	[smem:$0x3FAF] =	sst s3  }
0xc: {  	[smem:$0x3FB0] =	sst s4  }
0xd: {  	[smem:$0x3FB1] =	sst s5  }
0xe: {  	[smem:$0x3FB2] =	sst s6  }
0xf: {  	[smem:$0x3FB3] =	sst s7  }
0x10: {  	[smem:$0x3FB4] =	sst s8  }
0x11: {  	[smem:$0x3FB5] =	sst s9;
	s0 =	simm.s32 @!p0 $0x0  }
0x12: {  	s1 =	sld [smem:$0x3F9B];
	s0 =	simm.s32 @p0 $0x1  }
0x13: {  	[smem:$0x3FB6] =	sst s0;
	s0 =	simm.s32 @!p1 $0x0  }
0x14: {  	s2 =	sld [smem:$0x3F9A];
	s0 =	simm.s32 @p1 $0x1  }
0x15: {  	[smem:$0x3FB7] =	sst s0;
	s0 =	simm.s32 @!p2 $0x0  }
0x16: {  	s3 =	sld [smem:$0x3FDB];
	s0 =	simm.s32 @p2 $0x1  }
0x17: {  	s4 =	simm.s32 $0x1BF5;
	[smem:$0x3FB9] =	sst s0  }
0x18: {  	s0 =	sld [smem:$0x3F9C];
	_ =	swait.ge [sflag:s4], $0x0  }
0x19: {  	s7 =	sld [smem:$0x3F9D]  }
0x1a: {  	s8 =	sadd.s32 $0xFFFFE003, lr  }
0x1b: {  	s9 =	sadd.s32 $0xFFFFFEF7, lr;
	s5 =	simm.s32 $0xFFFFFFFF;
	p2 =	slt.u32 s8, $0xFFFFF086  }
0x1c: {  	p1 =	slt.u32 s9, $0xF7A;
	s5 =	simm.s32 @!p2 $0x0  }
0x1d: {  	s5 =	simm.s32 @p1 $0x1;
	p0 =	seq.s32 s7, s2  }
0x1e: {  	s7 =	smul.u32 @!p0 $0xF7A, s2;
	p2 =	seq.s32 @!p0 s5, $0x0  }
0x1f: {  	s9 =	smul.u32 $0xF7A, s1;
	s8 =	simm.s32 @!p0 $0x1BF5;
	p2 =	por !p2, p0  }
0x20: {  	[sflag:s8] =	ssyncset.s32 @!p0 $0xFFFFF086;
	s6 =	sadd.s32 @!p0 s3, s7;
	s7 =	simm.s32 @!p0 $0x108  }
0x21: {  	s3 =	sadd.s32 s3, s9;
	s6 =	sadd.s32 @!p0 $0x88, s6;
	s7 =	simm.s32 @p2 $0x1082  }
0x22: {  	[simem:s7], [sflag:s8] =	dma.local @!p0 [hbm:s6], $0xF7A  }
0x23: {  	s9 =	sor.u32 $0xD0000000, s2;
	s6 =	simm.s32 $0x108;
	_ =	swait.ge @!p0 [sflag:s8], $0x0  }
0x24: {  	s3 =	sadd.s32 $0x88, s3;
	s6 =	simm.s32 @!p1 $0x1082;
	[sflag:s4] =	ssyncset.s32 $0xFFFFF086  }
0x25: {  	[simem:s6], [sflag:s4] =	dma.local [hbm:s3], $0xF7A  }
0x26: {  	[smem:$0x3F9D] =	sst s1;
	(tag) =	ssettag s2;
	_ =	strace s9  }
0x27: {  	s1 =	sld [smem:$0x3FAD]  }
0x28: {  	s2 =	sld [smem:$0x3FAE]  }
0x29: {  	s4 =	sld [smem:$0x3FB0]  }
0x2a: {  	p0 =	seq.s32 s5, $0x0;
	s5 =	sld [smem:$0x3FB1]  }
0x2b: {  	s6 =	sld [smem:$0x3FB2]  }
0x2c: {  	s7 =	sld [smem:$0x3FB3]  }
0x2d: {  	s3 =	simm.s32 $0x108;
	s8 =	sld [smem:$0x3FB4]  }
0x2e: {  	s3 =	simm.s32 @!p0 $0x1082;
	s9 =	sld [smem:$0x3FB5]  }
0x2f: {  	lr =	sadd.s32 s0, s3;
	s0 =	sld [smem:$0x3FAC]  }
0x30: {  	s3 =	sld [smem:$0x3FAF]  }
0x31: {  	[smem:$0x3FB8] =	sst s10  }
0x32: {  	s10 =	sld [smem:$0x3FB6];
	_ =	sdelay $0x3  }
0x33: {  	p0 =	seq.s32 s10, $0x1;
	s10 =	sld [smem:$0x3FB8];
	_ =	sdelay $0x3  }
0x34: {  	[smem:$0x3FB8] =	sst s10  }
0x35: {  	s10 =	sld [smem:$0x3FB7];
	_ =	sdelay $0x3  }
0x36: {  	p1 =	seq.s32 s10, $0x1;
	s10 =	sld [smem:$0x3FB8];
	_ =	sdelay $0x3  }
0x37: {  	[smem:$0x3FB8] =	sst s10  }
0x38: {  	s10 =	sld [smem:$0x3FB9]  }
0x39: {  	_ = 	snop;
	(pc) =	sbr.ind lr, $3  }
0x3a: {  	_ = 	snop  }
0x3b: {  	_ = 	snop  }
0x3c: {  	p2 =	seq.s32 s10, $0x1;
	s10 =	sld [smem:$0x3FB8]  }
0x3d: {  	_ =	shalt  }
0x3e: {  	_ =	shalt  }
0x3f: {  	_ =	shalt  }
0x40: {  	_ =	shalt  }
0x41: {  	_ =	shalt  }
0x42: {  	_ =	shalt  }
0x43: {  	_ =	shalt  }
0x44: {  	_ =	shalt  }
0x45: {  	_ =	shalt  }
0x46: {  	_ =	shalt  }
0x47: {  	_ =	shalt  }
0x48: {  	_ =	shalt  }
0x49: {  	_ =	shalt  }
0x4a: {  	_ =	shalt  }
0x4b: {  	_ =	shalt  }
0x4c: {  	_ =	shalt  }
0x4d: {  	_ =	shalt  }
0x4e: {  	_ =	shalt  }
0x4f: {  	_ =	shalt  }
0x50: {  	_ =	shalt  }
0x51: {  	_ =	shalt  }
0x52: {  	_ =	shalt  }
0x53: {  	_ =	shalt  }
0x54: {  	_ =	shalt  }
0x55: {  	_ =	shalt  }
0x56: {  	_ =	shalt  }
0x57: {  	_ =	shalt  }
0x58: {  	_ =	shalt  }
0x59: {  	_ =	shalt  }
0x5a: {  	_ =	shalt  }
0x5b: {  	_ =	shalt  }
0x5c: {  	_ =	shalt  }
0x5d: {  	_ =	shalt  }
0x5e: {  	_ =	shalt  }
0x5f: {  	_ =	shalt  }
0x60: {  	_ =	shalt  }
0x61: {  	_ =	shalt  }
0x62: {  	_ =	shalt  }
0x63: {  	_ =	shalt  }
0x64: {  	_ =	shalt  }
0x65: {  	_ =	shalt  }
0x66: {  	_ =	shalt  }
0x67: {  	_ =	shalt  }
0x68: {  	_ =	shalt  }
0x69: {  	_ =	shalt  }
0x6a: {  	_ =	shalt  }
0x6b: {  	_ =	shalt  }
0x6c: {  	_ =	shalt  }
0x6d: {  	_ =	shalt  }
0x6e: {  	_ =	shalt  }
0x6f: {  	_ =	shalt  }
0x70: {  	_ =	shalt  }
0x71: {  	_ =	shalt  }
0x72: {  	_ =	shalt  }
0x73: {  	_ =	shalt  }
0x74: {  	_ =	shalt  }
0x75: {  	_ =	shalt  }
0x76: {  	_ =	shalt  }
0x77: {  	_ =	shalt  }
0x78: {  	_ =	shalt  }
0x79: {  	_ =	shalt  }
0x7a: {  	_ =	shalt  }
0x7b: {  	_ =	shalt  }
0x7c: {  	_ =	shalt  }
0x7d: {  	_ =	shalt  }
0x7e: {  	_ =	shalt  }
0x7f: {  	_ =	shalt  }
0x80: {  	_ =	shalt  }
0x81: {  	_ =	shalt  }
0x82: {  	_ =	shalt  }
0x83: {  	_ =	shalt  }
0x84: {  	_ =	shalt  }
0x85: {  	_ =	shalt  }
0x86: {  	_ =	shalt  }
0x87: {  	_ =	shalt  }
.Lfunc_end0:
.L_simem_size_0:
called_computation.2_lowered:
.L_overlay_start_0:
0x88: {  	s2 =	sld [smem:$0x3FD9]  }
0x89: {  	s3 =	sld [smem:$0x3FFE];
	_ =	sdelay $0x1  }
0x8a: {  	s1 =	srdreg.scid  }
0x8b: {  	s0 =	sand.u32 $0x1, s1  }
0x8c: {  	s14 =	sshll.u32 s0, $0xA;
	s2 =	sadd.s32 s3, s2  }
0x8d: {  	s2 =	sadd.s32 s2, s14  }
0x8e: {  	[smem:$0x3FC4] =	sst s2  }
0x8f: {  	_ = 	snop  }
0x90: {  	s2 =	sld [smem:$0x3FD0];
	_ =	sdelay $0x1  }
0x91: {  	s15 =	sld [smem:$0x3FC9]  }
0x92: {  	s5 =	simm.s32 $0xB;
	s6 =	simm.s32 $0x10;
	s4 =	sld [smem:$0x3FC8]  }
0x93: {  	[smem:s6], [sflag:s5] =	dma.local [hbm:s2], $0x1  }
0x94: {  	_ =	swait.eq [sflag:s5], $0x1  }
0x95: {  	[sflag:s5] =	ssyncset.done $0x0  }
0x96: {  	[sflag:s5] =	ssyncadd.s32 $0xFFFFFFFF  }
0x97: {  	s16 =	sld [smem:$0x10];
	(tm) =	ssettm $0x1  }
0x98: {  	s17 =	sld [smem:$0x3FFB];
	_ =	sdelay $0x3  }
0x99: {  	_ =	strace s17  }
0x9a: {  	s5 =	sld [smem:$0x3FFC];
	_ =	sdelay $0x3  }
0x9b: {  	_ =	strace s5  }
0x9c: {  	s5 =	sld [smem:$0x3FFD];
	_ =	sdelay $0x3  }
0x9d: {  	_ =	strace s5  }
0x9e: {  	_ =	strace $0x8FFFFFFF  }
0x9f: {  	s18 =	sld [smem:$0x3FDB];
	_ =	sdelay $0x1  }
0xa0: {  	s19 =	simm.s32 $_scs_section_size  }
0xa1: {  	s7 =	simm.s32 $_size__tile_overlayer_lowered;
	s8 =	simm.s32 $_tile_overlayer_lowered  }
0xa2: {  	s22 =	simm.s32 $0x1BFF;
	s21 =	sshll.u32 s8, $0x1;
	s5 =	sadd.s32 s19, s18  }
0xa3: {  	s9 =	simm.s32 $0x0;
	s20 =	sshll.u32 s7, $0x1;
	s7 =	sadd.s32 s21, s5  }
0xa4: {  	[timem:s9], [sflag:s22] =	dma.local [hbm:s7], s20  }
0xa5: {  	_ =	swait.ge [sflag:s22], s20  }
0xa6: {  	s6 =	ssub.s32 $0x0, s20;
	[sflag:s22] =	ssyncset.done $0x0  }
0xa7: {  	[sflag:s22] =	ssyncadd.s32 s6;
	_ =	sdelay $0x1  }
0xa8: {  	s23 =	simm.s32 $0x1B8B  }
0xa9: {  	_ =	swait.ge [sflag:s23], $0x1  }
0xaa: {  	[sflag:s23] =	ssyncset.done $0x0  }
0xab: {  	s25 =	simm.s32 $0x1B8E;
	s24 =	sld [smem:$0x3FFE];
	[sflag:s23] =	ssyncadd.s32 $0xFFFFFFFF  }
0xac: {  	s26 =	simm.s32 $execute0_lowered;
	[smem:$0x3FD2] =	sst s25  }
0xad: {  	s7 =	sshll.u32 s26, $0x1;
	_ =	strace $0x8000004C;
	[dreg:$0x1] =	wrdreg $0xFFFFFFFF  }
0xae: {  	s28 =	simm.s32 $_size_execute0_lowered;
	s5 =	sadd.s32 s5, s7;
	[dreg:$0x0] =	wrdreg $0x0  }
0xaf: {  	s7 =	sshll.u32 s28, $0x1;
	[dreg:$0x2] =	wrdreg s5  }
0xb0: {  	[dreg:$0x3] =	wrdreg s7  }
0xb1: {  	[dreg:$0x4] =	wrdreg $0xC0  }
0xb2: {  	_ =	task [dreg:s9], $0x5FFFF  }
0xb3: {  	[dreg:$0x1] =	wrdreg $0xFFFFFFFF  }
0xb4: {  	[dreg:$0x0] =	wrdreg $0x60  }
0xb5: {  	[dreg:$0x2] =	wrdreg s15  }
0xb6: {  	[dreg:$0x3] =	wrdreg s4  }
0xb7: {  	[dreg:$0x4] =	wrdreg s24  }
0xb8: {  	[dreg:$0x5] =	wrdreg s16  }
0xb9: {  	[dreg:$0x6] =	wrdreg $0x9  }
0xba: {  	_ =	task.clear_ibuf [dreg:s9], $0x7FFFF;
	_ =	strace $0x9000004C  }
0xbb: {  	s29 =	simm.s32 $0x9;
	_ =	strace $0x8000004E  }
0xbc: {  	_ =	swait.ge [sflag:s29], $0x1  }
0xbd: {  	[sflag:s29] =	ssyncadd.s32 $0xFFFFFFFF  }
0xbe: {  	_ =	strace $0x9000004E  }
0xbf: {  	_ =	sfence  }
0xc0: {  	s30 =	sld [smem:$0x0];
	_ =	sdelay $0x2  }
0xc1: {  	s31 =	sshll.u32 s1, $0xD;
	s1 =	sshrl.u32 s1, $0x2  }
0xc2: {  	s3 =	sand.u32 $0x4000, s31;
	s1 =	sadd.s32 s1, s30  }
0xc3: {  	s0 =	sor.u32 s3, s0;
	s1 =	sshll.u32 s1, $0x11  }
0xc4: {  	s0 =	sor.u32 s1, s0  }
0xc5: {  	s0 =	sadd.s32 $0x8F2B, s0  }
0xc6: {  	[sflag:s0] =	ssyncadd.remote.s32 $0x1  }
0xc7: {  	_ =	sfence.sel $0xFFFF  }
0xc8: {  	[dreg:$0x0] =	wrdreg $0xFFFFFFFF;
	(pc) =	sbr.abs _section_cstart, $3  }
0xc9: {  	[dreg:$0x1] =	wrdreg $0xFFFFFFFF  }
0xca: {  	_ =	task.clear_ibuf [dreg:s9], $0x2FFFF;
	_ =	strace $0x9FFFFFFF  }
0xcb: {  	(tm) =	ssettm $0x7FFFFFFF  }
tec
execute0_lowered:
.L_overlay_start_1:
0x0: {  	(tag) =	ssettag $0x1  }
0x1: {  	s0 =	rddreg [dreg:$0x0]  }
0x2: {  	s2 =	rddreg [dreg:$0x1]  }
0x3: {  	s1 =	rddreg [dreg:$0x2]  }
0x4: {  	s7 =	rddreg [dreg:$0x3]  }
0x5: {  	s3 =	simm.s32 $0x0;
	s4 =	srdreg.scid;
	s6 =	stileid.u32  }
0x6: {  	s11 =	simm.s32 $0x200;
	s12 =	simm.s32 $0x80;
	s13 =	simm.s32 $0x400  }
0x7: {  	s14 =	simm.s32 $0x2400;
	s17 =	simm.s32 $0x2C00;
	s18 =	simm.s32 $0x100  }
0x8: {  	s19 =	simm.s32 $0x1400;
	s20 =	simm.s32 $0x300;
	s21 =	simm.s32 $0x3400  }
0x9: {  	s22 =	simm.s32 $0x180;
	s23 =	simm.s32 $0x1C00;
	s24 =	simm.s32 $0x380  }
0xa: {  	s25 =	simm.s32 $0x3C00;
	s28 =	simm.s32 $0x2;
	s29 =	simm.s32 $0x4400  }
0xb: {  	s30 =	simm.s32 $0x4600;
	s31 =	simm.s32 $0x0;
	[smem:$0x7FF] =	sst s3  }
0xc: {  	s5 =	sand.u32 $0x1, s4;
	s26 =	sshll.u32 s6, $0x1;
	s4 =	sadd.s32 $0x1E8600, s1  }
0xd: {  	_ =	strace $0x8000004D;
	s6 =	sor.u32 s5, s26;
	s5 =	ssub.s32 $0x2, s5  }
0xe: {  	s26 =	simm.s32 $0x1;
	s8 =	sshll.u32 s6, $0x2;
	s9 =	sshrl.u32 s5, $0x1  }
0xf: {  	s10 =	sshll.u32 s6, $0x6;
	s8 =	sadd.s32 s8, s1;
	s9 =	ssub.s32 s5, s9  }
0x10: {  	v0 =	vlaneseq.u32;
	s5 =	sadd.s32 s0, s10;
	s6 =	sadd.s32 s2, s10;
	s7 =	sadd.s32 s7, s10  }
0x11: {  	v0 =	vmul.u32 $0x10, v0;
	s10 =	simm.s32 $0x3;
	s8 =	sadd.s32 $0x3D0C00, s8;
	s9 =	smax.u32 s9, $0x1  }
.LBB2_1:
0x12: {  	[tilespmem:s3], [sflag:$0x3] =	stream.linear.gather [hbm4b:s5+s3], $0x200, $0x38;
	[tilespmem:$0x4620] =	vst v63  }
0x13: {  	_ =	swait.ge [sflag:s10], $0x200  }
0x14: {  	[sflag:s10] =	ssyncset.done $0x0  }
0x15: {  	[sflag:s10] =	ssyncadd.s32 $0xFFFFFE00  }
0x16: {  	[tilespmem:s11], [sflag:$0x3] =	stream.linear.gather [hbm4b:s6+s3], $0x200, $0x38;
	[tilespmem:$0x4620] =	vst v63  }
0x17: {  	_ =	swait.ge [sflag:s10], $0x200  }
0x18: {  	[sflag:s10] =	ssyncset.done $0x0  }
0x19: {  	[sflag:s10] =	ssyncadd.s32 $0xFFFFFE00  }
0x1a: {  	[tilespmem:s13], [sflag:$0x1] =	stream.indirect.gather [hbm4b:s4+s12], $0x10, s3, s12, $0xb8;
	[tilespmem:$0x4620] =	vst v63  }
0x1b: {  	_ = 	snop  }
0x1c: {  	[tilespmem:s14], [sflag:$0x2] =	stream.indirect.gather [hbm4b:s1+s12], $0x10, s11, s12, $0xb8;
	[tilespmem:$0x4620] =	vst v63  }
0x1d: {  	s0 =	simm.s32 $0xC00  }
0x1e: {  	[tilespmem:s0], [sflag:$0x1] =	stream.indirect.gather [hbm4b:s4+s12], $0x10, s12, s12, $0xb8;
	[tilespmem:$0x4620] =	vst v63  }
0x1f: {  	s16 =	simm.s32 $0x280  }
0x20: {  	[tilespmem:s17], [sflag:$0x2] =	stream.indirect.gather [hbm4b:s1+s12], $0x10, s16, s12, $0xb8;
	[tilespmem:$0x4620] =	vst v63  }
0x21: {  	_ = 	snop  }
0x22: {  	[tilespmem:s19], [sflag:$0x1] =	stream.indirect.gather [hbm4b:s4+s12], $0x10, s18, s12, $0xb8;
	[tilespmem:$0x4620] =	vst v63  }
0x23: {  	_ = 	snop  }
0x24: {  	[tilespmem:s21], [sflag:$0x2] =	stream.indirect.gather [hbm4b:s1+s12], $0x10, s20, s12, $0xb8;
	[tilespmem:$0x4620] =	vst v63  }
0x25: {  	_ = 	snop  }
0x26: {  	[tilespmem:s23], [sflag:$0x1] =	stream.indirect.gather [hbm4b:s4+s12], $0x10, s22, s12, $0xb8;
	[tilespmem:$0x4620] =	vst v63  }
0x27: {  	_ = 	snop  }
0x28: {  	[tilespmem:s25], [sflag:$0x2] =	stream.indirect.gather [hbm4b:s1+s12], $0x10, s24, s12, $0xb8;
	[tilespmem:$0x4620] =	vst v63  }
0x29: {  	_ =	swait.ge [sflag:s26], $0x800  }
0x2a: {  	[sflag:s26] =	ssyncset.done $0x0  }
0x2b: {  	[sflag:s26] =	ssyncadd.s32 $0xFFFFF800  }
0x2c: {  	_ =	swait.ge [sflag:s28], $0x800  }
0x2d: {  	[sflag:s28] =	ssyncset.done $0x0  }
0x2e: {  	[sflag:s28] =	ssyncadd.s32 $0xFFFFF800  }
0x2f: {  	_ =	swait.ge [sflag:s26], $0x800  }
0x30: {  	[sflag:s26] =	ssyncset.done $0x0  }
0x31: {  	[sflag:s26] =	ssyncadd.s32 $0xFFFFF800  }
0x32: {  	_ =	swait.ge [sflag:s28], $0x800  }
0x33: {  	[sflag:s28] =	ssyncset.done $0x0  }
0x34: {  	[sflag:s28] =	ssyncadd.s32 $0xFFFFF800  }
0x35: {  	_ =	swait.ge [sflag:s26], $0x800  }
0x36: {  	[sflag:s26] =	ssyncset.done $0x0  }
0x37: {  	[sflag:s26] =	ssyncadd.s32 $0xFFFFF800  }
0x38: {  	_ =	swait.ge [sflag:s28], $0x800  }
0x39: {  	[sflag:s28] =	ssyncset.done $0x0  }
0x3a: {  	v1 =	vmov s3;
	[sflag:s28] =	ssyncadd.s32 $0xFFFFF800  }
0x3b: {  	v1 =	vshll.u32 v1, $0x4;
	_ =	swait.ge [sflag:s26], $0x800  }
0x3c: {  	v2 =	vor.u32 v0, v1;
	[sflag:s26] =	ssyncset.done $0x0  }
0x3d: {  	[sflag:s26] =	ssyncadd.s32 $0xFFFFF800  }
0x3e: {  	v1 =	vor.u32 $0x1, v2;
	_ =	swait.ge [sflag:s28], $0x800  }
0x3f: {  	[sflag:s28] =	ssyncset.done $0x0  }
0x40: {  	v10 =	vor.u32 $0x2, v2;
	[sflag:s28] =	ssyncadd.s32 $0xFFFFF800  }
0x41: {  	v7 =	vld.idx.msk [tilespmem:v2+s13+$0x0], $0xffff  }
0x42: {  	v12 =	vor.u32 $0x4, v2;
	v8 =	vld.idx.msk [tilespmem:v2+s14+$0x0], $0xffff  }
0x43: {  	v16 =	vld.idx.msk [tilespmem:v1+s14+$0x0], $0xffff  }
0x44: {  	v9 =	vimm.f32 $0.0e+00;
	v13 =	vor.u32 $0x5, v2;
	v17 =	vld.idx.msk [tilespmem:v1+s13+$0x0], $0xffff  }
0x45: {  	v11 =	vor.u32 $0x3, v2;
	v14 =	vor.u32 $0x6, v2;
	v15 =	vor.u32 $0x7, v2;
	v23 =	vld.idx.msk [tilespmem:v10+s13+$0x0], $0xffff  }
0x46: {  	v6 =	vor.u32 $0x9, v2;
	v5 =	vor.u32 $0xB, v2;
	v4 =	vor.u32 $0xC, v2;
	v10 =	vld.idx.msk [tilespmem:v10+s14+$0x0], $0xffff  }
0x47: {  	v3 =	vor.u32 $0xD, v2;
	v45 =	vor.u32 $0x8, v2;
	v48 =	vor.u32 $0xA, v2;
	v32 =	vld.idx.msk [tilespmem:v12+s14+$0x0], $0xffff  }
0x48: {  	v1 =	vor.u32 $0xF, v2;
	v12 =	vld.idx.msk [tilespmem:v12+s13+$0x0], $0xffff;
	v2 =	vor.u32 $0xE, v2;
	v18 =	vunpack.i.l.bf16.f32 v7  }
0x49: {  	v37 =	vld.idx.msk [tilespmem:v13+s14+$0x0], $0xffff;
	v19 =	vunpack.i.l.bf16.f32 v8;
	v8 =	vunpack.i.u.bf16.f32 v8;
	v7 =	vunpack.i.u.bf16.f32 v7  }
0x4a: {  	v13 =	vld.idx.msk [tilespmem:v13+s13+$0x0], $0xffff;
	v22 =	vunpack.i.u.bf16.f32 v16;
	v24 =	vunpack.i.l.bf16.f32 v17;
	v16 =	vunpack.i.l.bf16.f32 v16  }
0x4b: {  	v17 =	vunpack.i.u.bf16.f32 v17;
	v26 =	vunpack.i.l.bf16.f32 v23;
	v27 =	vunpack.i.u.bf16.f32 v10  }
0x4c: {  	v42 =	vld.idx.msk [tilespmem:v14+s14+$0x0], $0xffff;
	v10 =	vunpack.i.l.bf16.f32 v10;
	v28 =	vunpack.i.u.bf16.f32 v23;
	v36 =	vunpack.i.l.bf16.f32 v32  }
0x4d: {  	v38 =	vunpack.i.u.bf16.f32 v12;
	v12 =	vunpack.i.l.bf16.f32 v12;
	v39 =	vunpack.i.u.bf16.f32 v32  }
0x4e: {  	v43 =	vunpack.i.l.bf16.f32 v37;
	v20 =	vmul.f32 v18, v18;
	v18 =	vmul.f32 v19, v18  }
0x4f: {  	v44 =	vunpack.i.u.bf16.f32 v13;
	v19 =	vmul.f32 v19, v19;
	v21 =	vmul.f32 v8, v7  }
0x50: {  	v13 =	vunpack.i.l.bf16.f32 v13;
	v61 =	vmul.f32 v16, v24;
	v62 =	vmul.f32 v17, v17  }
0x51: {  	v47 =	vld.idx.msk [tilespmem:v15+s14+$0x0], $0xffff;
	v46 =	vunpack.i.l.bf16.f32 v42;
	v8 =	vmul.f32 v8, v8;
	v24 =	vmul.f32 v24, v24  }
0x52: {  	v17 =	vmul.f32 v22, v17;
	v20 =	vadd.f32 v20, v9;
	v9 =	vadd.f32 v19, v9  }
0x53: {  	v7 =	vmul.f32 v7, v7;
	v16 =	vmul.f32 v16, v16;
	v18 =	vadd.f32 $0.0e+00, v18  }
0x54: {  	v63 =	vmul.f32 v22, v22;
	v29 =	vmul.f32 v26, v26;
	v8 =	vadd.f32 v9, v8;
	v9 =	vld.idx.msk [tilespmem:v11+s14+$0x0], $0xffff  }
0x55: {  	v22 =	vmul.f32 v10, v26;
	v18 =	vadd.f32 v18, v21;
	v11 =	vld.idx.msk [tilespmem:v11+s13+$0x0], $0xffff;
	v7 =	vadd.f32 v20, v7  }
0x56: {  	v51 =	vunpack.i.l.bf16.f32 v47;
	v30 =	vmul.f32 v27, v28;
	v10 =	vmul.f32 v10, v10  }
0x57: {  	v40 =	vmul.f32 v36, v36;
	v18 =	vadd.f32 v61, v18;
	v7 =	vadd.f32 v24, v7  }
0x58: {  	v41 =	vmul.f32 v38, v38;
	v20 =	vmul.f32 v28, v28;
	v8 =	vadd.f32 v16, v8  }
0x59: {  	v17 =	vadd.f32 v18, v17;
	v18 =	vmul.f32 v27, v27;
	v7 =	vadd.f32 v7, v62  }
0x5a: {  	v8 =	vadd.f32 v8, v63;
	v31 =	vunpack.i.u.bf16.f32 v9;
	v33 =	vunpack.i.l.bf16.f32 v11  }
0x5b: {  	v9 =	vunpack.i.l.bf16.f32 v9;
	v17 =	vadd.f32 v22, v17;
	v7 =	vadd.f32 v29, v7  }
0x5c: {  	v11 =	vunpack.i.u.bf16.f32 v11;
	v8 =	vadd.f32 v10, v8;
	v10 =	vmul.f32 v9, v33  }
0x5d: {  	v35 =	vmul.f32 v33, v33;
	v16 =	vadd.f32 v17, v30;
	v7 =	vadd.f32 v7, v20  }
0x5e: {  	v34 =	vmul.f32 v31, v11;
	v9 =	vmul.f32 v9, v9;
	v8 =	vadd.f32 v8, v18  }
0x5f: {  	v11 =	vmul.f32 v11, v11;
	v10 =	vadd.f32 v10, v16;
	v7 =	vadd.f32 v35, v7  }
0x60: {  	v25 =	vmul.f32 v31, v31;
	v8 =	vadd.f32 v9, v8;
	v9 =	vmul.f32 v12, v12  }
0x61: {  	v12 =	vmul.f32 v36, v12;
	v10 =	vadd.f32 v10, v34;
	v7 =	vadd.f32 v7, v11  }
0x62: {  	v17 =	vmul.f32 v43, v43;
	v18 =	vunpack.i.u.bf16.f32 v42;
	v8 =	vadd.f32 v8, v25  }
0x63: {  	v14 =	vld.idx.msk [tilespmem:v14+s13+$0x0], $0xffff;
	v11 =	vmul.f32 v39, v38;
	v7 =	vadd.f32 v9, v7;
	v10 =	vadd.f32 v12, v10  }
0x64: {  	v9 =	vmul.f32 v39, v39;
	v8 =	vadd.f32 v40, v8;
	v12 =	vunpack.i.u.bf16.f32 v37  }
0x65: {  	v16 =	vmul.f32 v12, v44;
	v10 =	vadd.f32 v10, v11;
	v11 =	vmul.f32 v43, v13  }
0x66: {  	v7 =	vadd.f32 v7, v41;
	v8 =	vadd.f32 v8, v9;
	v13 =	vmul.f32 v13, v13  }
0x67: {  	v12 =	vmul.f32 v12, v12;
	v9 =	vmul.f32 v44, v44;
	v10 =	vadd.f32 v11, v10  }
0x68: {  	v15 =	vld.idx.msk [tilespmem:v15+s13+$0x0], $0xffff;
	v11 =	vunpack.i.l.bf16.f32 v14;
	v7 =	vadd.f32 v13, v7;
	v8 =	vadd.f32 v17, v8  }
0x69: {  	v13 =	vmul.f32 v46, v46;
	v50 =	vmul.f32 v46, v11;
	v10 =	vadd.f32 v10, v16  }
0x6a: {  	v14 =	vunpack.i.u.bf16.f32 v14;
	v7 =	vadd.f32 v7, v9;
	v9 =	vmul.f32 v11, v11  }
0x6b: {  	v8 =	vadd.f32 v8, v12;
	v11 =	vld.idx.msk [tilespmem:v45+s13+$0x0], $0xffff;
	v12 =	vmul.f32 v18, v14;
	v10 =	vadd.f32 v50, v10  }
0x6c: {  	v49 =	vmul.f32 v18, v18;
	v7 =	vadd.f32 v9, v7;
	v9 =	vmul.f32 v14, v14  }
0x6d: {  	v52 =	vld.idx.msk [tilespmem:v45+s14+$0x0], $0xffff;
	v14 =	vunpack.i.u.bf16.f32 v15;
	v8 =	vadd.f32 v13, v8;
	v10 =	vadd.f32 v10, v12  }
0x6e: {  	v60 =	vld.idx.msk [tilespmem:v5+s13+$0x0], $0xffff;
	v12 =	vunpack.i.l.bf16.f32 v15;
	v15 =	vunpack.i.u.bf16.f32 v47;
	v7 =	vadd.f32 v7, v9  }
0x6f: {  	v8 =	vadd.f32 v8, v49;
	v9 =	vmul.f32 v51, v12;
	v53 =	vmul.f32 v15, v14  }
0x70: {  	v12 =	vmul.f32 v12, v12;
	v13 =	vmul.f32 v15, v15;
	v54 =	vunpack.i.u.bf16.f32 v11  }
0x71: {  	v15 =	vld.idx.msk [tilespmem:v6+s14+$0x0], $0xffff;
	v11 =	vunpack.i.l.bf16.f32 v11;
	v9 =	vadd.f32 v9, v10;
	v10 =	vmul.f32 v51, v51  }
0x72: {  	v6 =	vld.idx.msk [tilespmem:v6+s13+$0x0], $0xffff;
	v7 =	vadd.f32 v12, v7;
	v12 =	vmul.f32 v14, v14;
	v14 =	vunpack.i.l.bf16.f32 v52  }
0x73: {  	v62 =	vunpack.i.l.bf16.f32 v60;
	v16 =	vmul.f32 v54, v54;
	v55 =	vmul.f32 v14, v11  }
0x74: {  	v11 =	vmul.f32 v11, v11;
	v14 =	vmul.f32 v14, v14;
	v8 =	vadd.f32 v10, v8  }
0x75: {  	v9 =	vadd.f32 v9, v53;
	v7 =	vadd.f32 v7, v12;
	v12 =	vunpack.i.u.bf16.f32 v52  }
0x76: {  	v57 =	vld.idx.msk [tilespmem:v48+s14+$0x0], $0xffff;
	v10 =	vmul.f32 v12, v54;
	v56 =	vunpack.i.u.bf16.f32 v15;
	v8 =	vadd.f32 v8, v13  }
0x77: {  	v13 =	vunpack.i.l.bf16.f32 v6;
	v58 =	vmul.f32 v56, v56;
	v7 =	vadd.f32 v11, v7  }
0x78: {  	v59 =	vld.idx.msk [tilespmem:v48+s13+$0x0], $0xffff;
	v11 =	vmul.f32 v12, v12;
	v9 =	vadd.f32 v55, v9;
	v6 =	vunpack.i.u.bf16.f32 v6  }
0x79: {  	v12 =	vmul.f32 v13, v13;
	v8 =	vadd.f32 v14, v8;
	v14 =	vunpack.i.l.bf16.f32 v15  }
0x7a: {  	v9 =	vadd.f32 v9, v10;
	v10 =	vmul.f32 v6, v6;
	v7 =	vadd.f32 v7, v16  }
0x7b: {  	v6 =	vmul.f32 v56, v6;
	v15 =	vunpack.i.u.bf16.f32 v57;
	v13 =	vmul.f32 v14, v13  }
0x7c: {  	v14 =	vmul.f32 v14, v14;
	v8 =	vadd.f32 v8, v11;
	v11 =	vld.idx.msk [tilespmem:v5+s14+$0x0], $0xffff;
	v7 =	vadd.f32 v12, v7  }
0x7d: {  	v12 =	vunpack.i.l.bf16.f32 v59;
	v5 =	vadd.f32 v13, v9;
	v13 =	vunpack.i.l.bf16.f32 v57  }
0x7e: {  	v9 =	vmul.f32 v15, v15;
	v8 =	vadd.f32 v14, v8;
	v14 =	vmul.f32 v13, v13  }
0x7f: {  	v7 =	vadd.f32 v7, v10;
	v10 =	vmul.f32 v13, v12;
	v12 =	vmul.f32 v12, v12  }
0x80: {  	v6 =	vadd.f32 v5, v6;
	v5 =	vunpack.i.u.bf16.f32 v59;
	v8 =	vadd.f32 v8, v58  }
0x81: {  	v13 =	vmul.f32 v5, v5;
	v15 =	vmul.f32 v15, v5;
	v61 =	vunpack.i.u.bf16.f32 v11  }
0x82: {  	v5 =	vld.idx.msk [tilespmem:v4+s13+$0x0], $0xffff;
	v11 =	vunpack.i.l.bf16.f32 v11;
	v6 =	vadd.f32 v10, v6;
	v8 =	vadd.f32 v14, v8  }
0x83: {  	v7 =	vadd.f32 v12, v7;
	v12 =	vunpack.i.u.bf16.f32 v60;
	v10 =	vmul.f32 v11, v62  }
0x84: {  	v11 =	vmul.f32 v11, v11;
	v14 =	vadd.f32 v6, v15;
	v8 =	vadd.f32 v8, v9  }
0x85: {  	v7 =	vadd.f32 v7, v13;
	v13 =	vmul.f32 v62, v62;
	v63 =	vmul.f32 v61, v61;
	v6 =	vld.idx.msk [tilespmem:v4+s14+$0x0], $0xffff  }
0x86: {  	v9 =	vmul.f32 v61, v12;
	v14 =	vadd.f32 v10, v14;
	v15 =	vadd.f32 v11, v8  }
0x87: {  	v4 =	vld.idx.msk [tilespmem:v3+s14+$0x0], $0xffff;
	v12 =	vmul.f32 v12, v12;
	v10 =	vunpack.i.u.bf16.f32 v5;
	v11 =	vadd.f32 v13, v7  }
0x88: {  	s2 =	simm.s32 $0x10;
	s15 =	simm.s32 $0x4400;
	s0 =	simm.s32 $0x4400;
	v7 =	vld.idx.msk [tilespmem:v3+s13+$0x0], $0xffff;
	v3 =	vmul.f32 v10, v10;
	v8 =	vadd.f32 v14, v9;
	v9 =	vadd.f32 v15, v63  }
.LBB2_2:
0x89: {  	p0 =	sne.s32 s2, $0x1F0  }
0x8a: {  	v11 =	vadd.f32 v11, v12;
	v5 =	vunpack.i.l.bf16.f32 v5;
	v12 =	vunpack.i.l.bf16.f32 v6;
	s15 =	sadd.s32 $0x10, s15;
	s16 =	smov.u32 s2;
	s2 =	sadd.s32 $0x10, s2  }
0x8b: {  	v6 =	vunpack.i.u.bf16.f32 v6;
	v13 =	vmul.f32 v12, v5;
	v12 =	vmul.f32 v12, v12  }
0x8c: {  	v10 =	vmul.f32 v6, v10;
	v5 =	vmul.f32 v5, v5;
	v14 =	vunpack.i.l.bf16.f32 v4;
	v15 =	vld.idx.msk [tilespmem:v2+s14+$0x0], $0xffff  }
0x8d: {  	v6 =	vmul.f32 v6, v6;
	v9 =	vadd.f32 v12, v9;
	v12 =	vunpack.i.u.bf16.f32 v7;
	v2 =	vld.idx.msk [tilespmem:v2+s13+$0x0], $0xffff  }
0x8e: {  	v8 =	vadd.f32 v13, v8;
	v7 =	vunpack.i.l.bf16.f32 v7;
	v13 =	vmul.f32 v14, v14  }
0x8f: {  	v5 =	vadd.f32 v5, v11;
	v6 =	vadd.f32 v9, v6;
	v9 =	vmul.f32 v14, v7  }
0x90: {  	v4 =	vunpack.i.u.bf16.f32 v4;
	v8 =	vadd.f32 v8, v10;
	v7 =	vmul.f32 v7, v7  }
0x91: {  	v3 =	vadd.f32 v5, v3;
	v5 =	vmul.f32 v4, v12;
	v6 =	vadd.f32 v13, v6;
	v10 =	vld.idx.msk [tilespmem:v1+s14+$0x0], $0xffff  }
0x92: {  	v11 =	vmul.f32 v12, v12;
	v4 =	vmul.f32 v4, v4;
	v12 =	vunpack.i.u.bf16.f32 v15;
	v1 =	vld.idx.msk [tilespmem:v1+s13+$0x0], $0xffff  }
0x93: {  	v8 =	vadd.f32 v9, v8;
	v3 =	vadd.f32 v7, v3;
	v7 =	vunpack.i.l.bf16.f32 v15  }
0x94: {  	v4 =	vadd.f32 v6, v4;
	v6 =	vunpack.i.u.bf16.f32 v2;
	v2 =	vunpack.i.l.bf16.f32 v2  }
0x95: {  	v3 =	vadd.f32 v3, v11;
	v11 =	vmul.f32 v7, v7;
	v9 =	vmul.f32 v2, v2  }
0x96: {  	v5 =	vadd.f32 v8, v5;
	v8 =	vmul.f32 v12, v6;
	v6 =	vmul.f32 v6, v6  }
0x97: {  	v2 =	vmul.f32 v7, v2;
	v7 =	vmul.f32 v12, v12;
	v4 =	vadd.f32 v11, v4  }
0x98: {  	v3 =	vadd.f32 v9, v3;
	v9 =	vunpack.i.u.bf16.f32 v10;
	v10 =	vunpack.i.l.bf16.f32 v10  }
0x99: {  	v2 =	vadd.f32 v2, v5;
	v4 =	vadd.f32 v4, v7;
	v5 =	vunpack.i.l.bf16.f32 v1  }
0x9a: {  	v1 =	vunpack.i.u.bf16.f32 v1;
	v3 =	vadd.f32 v3, v6;
	v6 =	vmul.f32 v10, v5  }
0x9b: {  	v2 =	vadd.f32 v2, v8;
	v7 =	vmul.f32 v9, v1;
	v5 =	vmul.f32 v5, v5  }
0x9c: {  	v1 =	vmul.f32 v1, v1;
	v8 =	vmul.f32 v10, v10  }
0x9d: {  	v2 =	vadd.f32 v6, v2;
	v3 =	vadd.f32 v5, v3  }
0x9e: {  	v4 =	vadd.f32 v8, v4;
	v5 =	vmul.f32 v9, v9  }
0x9f: {  	v2 =	vadd.f32 v2, v7;
	v9 =	vadd.f32 v3, v1  }
0xa0: {  	v10 =	vadd.f32 v4, v5  }
0xa1: {  	v1 =	vmov s16;
	[tilespmem:s0+$0x0] =	vst v2;
	s0 =	smov.u32 s15  }
0xa2: {  	v1 =	vshll.u32 v1, $0x4  }
0xa3: {  	v2 =	vor.u32 v0, v1  }
0xa4: {  	v11 =	vor.u32 $0x1, v2;
	v12 =	vor.u32 $0x2, v2;
	v13 =	vor.u32 $0x3, v2  }
0xa5: {  	v14 =	vor.u32 $0x4, v2;
	v15 =	vor.u32 $0x5, v2;
	v8 =	vor.u32 $0x6, v2  }
0xa6: {  	v7 =	vor.u32 $0x7, v2;
	v6 =	vor.u32 $0x9, v2;
	v5 =	vor.u32 $0xB, v2  }
0xa7: {  	v4 =	vor.u32 $0xC, v2;
	v3 =	vor.u32 $0xD, v2;
	v1 =	vor.u32 $0xF, v2  }
0xa8: {  	v16 =	vld.idx.msk [tilespmem:v2+s13+$0x0], $0xffff  }
0xa9: {  	v17 =	vld.idx.msk [tilespmem:v2+s14+$0x0], $0xffff;
	_ =	sdelay $0x1  }
0xaa: {  	v18 =	vld.idx.msk [tilespmem:v11+s14+$0x0], $0xffff  }
0xab: {  	v11 =	vld.idx.msk [tilespmem:v11+s13+$0x0], $0xffff;
	_ =	sdelay $0x1  }
0xac: {  	v19 =	vunpack.i.l.bf16.f32 v16  }
0xad: {  	v20 =	vunpack.i.u.bf16.f32 v17;
	v17 =	vunpack.i.l.bf16.f32 v17;
	v21 =	vmul.f32 v19, v19  }
0xae: {  	v16 =	vunpack.i.u.bf16.f32 v16;
	v19 =	vmul.f32 v17, v19;
	v17 =	vmul.f32 v17, v17;
	v22 =	vld.idx.msk [tilespmem:v12+s14+$0x0], $0xffff  }
0xaf: {  	v23 =	vmul.f32 v20, v16;
	v9 =	vadd.f32 v21, v9;
	v21 =	vunpack.i.u.bf16.f32 v18;
	v12 =	vld.idx.msk [tilespmem:v12+s13+$0x0], $0xffff  }
0xb0: {  	v19 =	vadd.f32 $0.0e+00, v19;
	v10 =	vadd.f32 v17, v10;
	v17 =	vunpack.i.u.bf16.f32 v11  }
0xb1: {  	v18 =	vunpack.i.l.bf16.f32 v18;
	v11 =	vunpack.i.l.bf16.f32 v11;
	v24 =	vmul.f32 v17, v17  }
0xb2: {  	v19 =	vadd.f32 v19, v23;
	v23 =	vmul.f32 v18, v11;
	v11 =	vmul.f32 v11, v11  }
0xb3: {  	v20 =	vmul.f32 v20, v20;
	v17 =	vmul.f32 v21, v17  }
0xb4: {  	v16 =	vmul.f32 v16, v16;
	v18 =	vmul.f32 v18, v18;
	v19 =	vadd.f32 v23, v19;
	v23 =	vld.idx.msk [tilespmem:v13+s14+$0x0], $0xffff  }
0xb5: {  	v10 =	vadd.f32 v10, v20;
	v20 =	vmul.f32 v21, v21;
	v21 =	vunpack.i.l.bf16.f32 v12;
	v13 =	vld.idx.msk [tilespmem:v13+s13+$0x0], $0xffff  }
0xb6: {  	v17 =	vadd.f32 v19, v17;
	v19 =	vunpack.i.u.bf16.f32 v22;
	v22 =	vunpack.i.l.bf16.f32 v22  }
0xb7: {  	v9 =	vadd.f32 v9, v16;
	v12 =	vunpack.i.u.bf16.f32 v12;
	v16 =	vmul.f32 v21, v21  }
0xb8: {  	v10 =	vadd.f32 v18, v10;
	v18 =	vmul.f32 v22, v21;
	v21 =	vmul.f32 v19, v12  }
0xb9: {  	v9 =	vadd.f32 v11, v9;
	v11 =	vmul.f32 v22, v22;
	v19 =	vmul.f32 v19, v19  }
0xba: {  	v12 =	vmul.f32 v12, v12;
	v17 =	vadd.f32 v18, v17;
	v18 =	vunpack.i.u.bf16.f32 v23;
	v22 =	vld.idx.msk [tilespmem:v14+s14+$0x0], $0xffff  }
0xbb: {  	v9 =	vadd.f32 v9, v24;
	v24 =	vunpack.i.l.bf16.f32 v13;
	v25 =	vmul.f32 v18, v18;
	v14 =	vld.idx.msk [tilespmem:v14+s13+$0x0], $0xffff  }
0xbc: {  	v10 =	vadd.f32 v10, v20;
	v20 =	vunpack.i.l.bf16.f32 v23;
	v17 =	vadd.f32 v17, v21  }
0xbd: {  	v9 =	vadd.f32 v16, v9;
	v13 =	vunpack.i.u.bf16.f32 v13  }
0xbe: {  	v10 =	vadd.f32 v11, v10;
	v11 =	vmul.f32 v20, v24;
	v16 =	vmul.f32 v18, v13  }
0xbf: {  	v9 =	vadd.f32 v9, v12;
	v12 =	vmul.f32 v24, v24;
	v18 =	vmul.f32 v20, v20  }
0xc0: {  	v13 =	vmul.f32 v13, v13;
	v11 =	vadd.f32 v11, v17;
	v17 =	vunpack.i.l.bf16.f32 v22;
	v20 =	vld.idx.msk [tilespmem:v15+s14+$0x0], $0xffff  }
0xc1: {  	v10 =	vadd.f32 v10, v19;
	v9 =	vadd.f32 v12, v9;
	v12 =	vunpack.i.u.bf16.f32 v14;
	v15 =	vld.idx.msk [tilespmem:v15+s13+$0x0], $0xffff  }
0xc2: {  	v11 =	vadd.f32 v11, v16;
	v16 =	vunpack.i.u.bf16.f32 v22;
	v14 =	vunpack.i.l.bf16.f32 v14  }
0xc3: {  	v10 =	vadd.f32 v18, v10;
	v9 =	vadd.f32 v9, v13;
	v13 =	vmul.f32 v14, v14  }
0xc4: {  	v19 =	vmul.f32 v17, v17;
	v18 =	vmul.f32 v16, v12  }
0xc5: {  	v10 =	vadd.f32 v10, v25;
	v14 =	vmul.f32 v17, v14;
	v12 =	vmul.f32 v12, v12;
	v17 =	vld.idx.msk [tilespmem:v8+s14+$0x0], $0xffff  }
0xc6: {  	v9 =	vadd.f32 v13, v9;
	v13 =	vmul.f32 v16, v16;
	v16 =	vunpack.i.l.bf16.f32 v20;
	v8 =	vld.idx.msk [tilespmem:v8+s13+$0x0], $0xffff  }
0xc7: {  	v10 =	vadd.f32 v19, v10;
	v11 =	vadd.f32 v14, v11;
	v14 =	vunpack.i.u.bf16.f32 v20  }
0xc8: {  	v9 =	vadd.f32 v9, v12;
	v12 =	vunpack.i.u.bf16.f32 v15;
	v15 =	vunpack.i.l.bf16.f32 v15  }
0xc9: {  	v11 =	vadd.f32 v11, v18;
	v10 =	vadd.f32 v10, v13;
	v13 =	vmul.f32 v12, v12  }
0xca: {  	v19 =	vor.u32 $0x8, v2;
	v18 =	vmul.f32 v16, v15;
	v12 =	vmul.f32 v14, v12  }
0xcb: {  	v15 =	vmul.f32 v15, v15;
	v16 =	vmul.f32 v16, v16;
	v20 =	vunpack.i.l.bf16.f32 v17;
	v21 =	vld.idx.msk [tilespmem:v7+s14+$0x0], $0xffff  }
0xcc: {  	v22 =	vor.u32 $0xA, v2;
	v14 =	vmul.f32 v14, v14;
	v17 =	vunpack.i.u.bf16.f32 v17;
	v7 =	vld.idx.msk [tilespmem:v7+s13+$0x0], $0xffff  }
0xcd: {  	v11 =	vadd.f32 v18, v11;
	v18 =	vunpack.i.l.bf16.f32 v8;
	v23 =	vmul.f32 v17, v17  }
0xce: {  	v9 =	vadd.f32 v15, v9;
	v10 =	vadd.f32 v16, v10;
	v15 =	vmul.f32 v20, v20  }
0xcf: {  	v11 =	vadd.f32 v11, v12;
	v8 =	vunpack.i.u.bf16.f32 v8;
	v12 =	vmul.f32 v20, v18  }
0xd0: {  	v9 =	vadd.f32 v9, v13;
	v10 =	vadd.f32 v10, v14;
	v13 =	vmul.f32 v18, v18;
	v14 =	vld.idx.msk [tilespmem:v19+s13+$0x0], $0xffff  }
0xd1: {  	v11 =	vadd.f32 v12, v11;
	v12 =	vmul.f32 v17, v8;
	v16 =	vunpack.i.l.bf16.f32 v21;
	v17 =	vld.idx.msk [tilespmem:v19+s14+$0x0], $0xffff  }
0xd2: {  	v9 =	vadd.f32 v13, v9;
	v8 =	vmul.f32 v8, v8;
	v13 =	vunpack.i.u.bf16.f32 v7  }
0xd3: {  	v11 =	vadd.f32 v11, v12;
	v12 =	vunpack.i.u.bf16.f32 v21;
	v7 =	vunpack.i.l.bf16.f32 v7  }
0xd4: {  	v8 =	vadd.f32 v9, v8;
	v9 =	vmul.f32 v16, v7;
	v18 =	vmul.f32 v12, v13  }
0xd5: {  	v10 =	vadd.f32 v15, v10;
	v7 =	vmul.f32 v7, v7;
	v12 =	vmul.f32 v12, v12;
	v15 =	vld.idx.msk [tilespmem:v6+s14+$0x0], $0xffff  }
0xd6: {  	v9 =	vadd.f32 v9, v11;
	v11 =	vmul.f32 v16, v16;
	v16 =	vunpack.i.u.bf16.f32 v14;
	v6 =	vld.idx.msk [tilespmem:v6+s13+$0x0], $0xffff  }
0xd7: {  	v7 =	vadd.f32 v7, v8;
	v8 =	vmul.f32 v13, v13;
	v13 =	vunpack.i.l.bf16.f32 v17  }
0xd8: {  	v10 =	vadd.f32 v10, v23;
	v14 =	vunpack.i.l.bf16.f32 v14;
	v9 =	vadd.f32 v9, v18  }
0xd9: {  	v7 =	vadd.f32 v7, v8;
	v8 =	vunpack.i.u.bf16.f32 v17;
	v17 =	vmul.f32 v13, v14  }
0xda: {  	v10 =	vadd.f32 v11, v10;
	v11 =	vmul.f32 v8, v16;
	v14 =	vmul.f32 v14, v14  }
0xdb: {  	v16 =	vmul.f32 v16, v16;
	v13 =	vmul.f32 v13, v13;
	v18 =	vunpack.i.u.bf16.f32 v15;
	v19 =	vld.idx.msk [tilespmem:v22+s14+$0x0], $0xffff  }
0xdc: {  	v10 =	vadd.f32 v10, v12;
	v12 =	vunpack.i.l.bf16.f32 v6;
	v20 =	vmul.f32 v18, v18;
	v21 =	vld.idx.msk [tilespmem:v22+s13+$0x0], $0xffff  }
0xdd: {  	v8 =	vmul.f32 v8, v8;
	v7 =	vadd.f32 v14, v7;
	v14 =	vmul.f32 v12, v12  }
0xde: {  	v9 =	vadd.f32 v17, v9;
	v10 =	vadd.f32 v13, v10;
	v13 =	vunpack.i.l.bf16.f32 v15  }
0xdf: {  	v6 =	vunpack.i.u.bf16.f32 v6;
	v12 =	vmul.f32 v13, v12;
	v13 =	vmul.f32 v13, v13  }
0xe0: {  	v9 =	vadd.f32 v9, v11;
	v8 =	vadd.f32 v10, v8;
	v10 =	vmul.f32 v6, v6;
	v11 =	vld.idx.msk [tilespmem:v5+s14+$0x0], $0xffff  }
0xe1: {  	v7 =	vadd.f32 v7, v16;
	v6 =	vmul.f32 v18, v6;
	v15 =	vunpack.i.u.bf16.f32 v19;
	v16 =	vld.idx.msk [tilespmem:v5+s13+$0x0], $0xffff  }
0xe2: {  	v8 =	vadd.f32 v13, v8;
	v5 =	vadd.f32 v12, v9;
	v9 =	vmul.f32 v15, v15  }
0xe3: {  	v7 =	vadd.f32 v14, v7;
	v13 =	vunpack.i.l.bf16.f32 v19;
	v12 =	vunpack.i.l.bf16.f32 v21  }
0xe4: {  	v8 =	vadd.f32 v8, v20;
	v17 =	vmul.f32 v13, v13;
	v14 =	vadd.f32 v5, v6  }
0xe5: {  	v7 =	vadd.f32 v7, v10;
	v10 =	vmul.f32 v13, v12;
	v5 =	vunpack.i.u.bf16.f32 v21  }
0xe6: {  	v12 =	vmul.f32 v12, v12;
	v13 =	vmul.f32 v5, v5;
	v18 =	vunpack.i.u.bf16.f32 v11;
	v6 =	vld.idx.msk [tilespmem:v4+s14+$0x0], $0xffff  }
0xe7: {  	v15 =	vmul.f32 v15, v5;
	v11 =	vunpack.i.l.bf16.f32 v11;
	v19 =	vunpack.i.l.bf16.f32 v16;
	v5 =	vld.idx.msk [tilespmem:v4+s13+$0x0], $0xffff  }
0xe8: {  	v8 =	vadd.f32 v17, v8;
	v4 =	vadd.f32 v10, v14;
	v10 =	vmul.f32 v11, v19  }
0xe9: {  	v7 =	vadd.f32 v12, v7;
	v12 =	vunpack.i.u.bf16.f32 v16;
	v11 =	vmul.f32 v11, v11  }
.Ltmp0:
0xea: {  	v8 =	vadd.f32 v8, v9;
	v9 =	vmul.f32 v18, v12;
	v14 =	vadd.f32 v4, v15;
	(pc) =	sbr.rel @p0 .LBB2_2-.Ltmp0, $4  }
0xeb: {  	v2 =	vor.u32 $0xE, v2;
	v13 =	vadd.f32 v7, v13;
	v15 =	vmul.f32 v19, v19;
	v4 =	vld.idx.msk [tilespmem:v3+s14+$0x0], $0xffff  }
0xec: {  	v17 =	vmul.f32 v18, v18;
	v16 =	vadd.f32 v11, v8;
	v14 =	vadd.f32 v10, v14;
	v7 =	vld.idx.msk [tilespmem:v3+s13+$0x0], $0xffff  }
0xed: {  	v12 =	vmul.f32 v12, v12;
	v11 =	vadd.f32 v15, v13;
	v10 =	vunpack.i.u.bf16.f32 v5  }
0xee: {  	v8 =	vadd.f32 v14, v9;
	v9 =	vadd.f32 v16, v17;
	v3 =	vmul.f32 v10, v10  }
0xef: {  	_ =	sdelay $0x1  }
0xf0: {  	v11 =	vadd.f32 v11, v12;
	v5 =	vunpack.i.l.bf16.f32 v5;
	v40 =	vunpack.i.l.bf16.f32 v6  }
0xf1: {  	v41 =	vunpack.i.u.bf16.f32 v6;
	v13 =	vmul.f32 v40, v5;
	v12 =	vmul.f32 v40, v40  }
0xf2: {  	v15 =	vld.idx.msk [tilespmem:v2+s14+$0x0], $0xffff;
	v10 =	vmul.f32 v41, v10;
	v5 =	vmul.f32 v5, v5;
	v14 =	vunpack.i.l.bf16.f32 v4  }
0xf3: {  	v2 =	vld.idx.msk [tilespmem:v2+s13+$0x0], $0xffff;
	v6 =	vmul.f32 v41, v41;
	v46 =	vunpack.i.u.bf16.f32 v4;
	v42 =	vunpack.i.u.bf16.f32 v7  }
0xf4: {  	v50 =	vld.idx.msk [tilespmem:v1+s14+$0x0], $0xffff;
	v43 =	vunpack.i.l.bf16.f32 v7;
	v44 =	vmul.f32 v14, v14;
	v4 =	vmul.f32 v46, v46  }
0xf5: {  	v1 =	vld.idx.msk [tilespmem:v1+s13+$0x0], $0xffff;
	v9 =	vadd.f32 v12, v9;
	v8 =	vadd.f32 v13, v8;
	v45 =	vmul.f32 v14, v43  }
0xf6: {  	v5 =	vadd.f32 v5, v11;
	v7 =	vmul.f32 v43, v43;
	v47 =	vmul.f32 v46, v42  }
0xf7: {  	v48 =	vmul.f32 v42, v42;
	v6 =	vadd.f32 v9, v6;
	v8 =	vadd.f32 v8, v10  }
0xf8: {  	v3 =	vadd.f32 v5, v3;
	v49 =	vunpack.i.u.bf16.f32 v15;
	v51 =	vunpack.i.l.bf16.f32 v15  }
0xf9: {  	v52 =	vunpack.i.u.bf16.f32 v2;
	v2 =	vunpack.i.l.bf16.f32 v2;
	v57 =	vunpack.i.u.bf16.f32 v50  }
0xfa: {  	v58 =	vunpack.i.l.bf16.f32 v50;
	v59 =	vunpack.i.l.bf16.f32 v1;
	v3 =	vadd.f32 v7, v3  }
0xfb: {  	v1 =	vunpack.i.u.bf16.f32 v1;
	v6 =	vadd.f32 v44, v6;
	v8 =	vadd.f32 v45, v8  }
0xfc: {  	v53 =	vmul.f32 v2, v2;
	v54 =	vmul.f32 v51, v51;
	v3 =	vadd.f32 v3, v48  }
0xfd: {  	v2 =	vmul.f32 v51, v2;
	v4 =	vadd.f32 v6, v4;
	v5 =	vadd.f32 v8, v47  }
0xfe: {  	v55 =	vmul.f32 v49, v52;
	v6 =	vmul.f32 v52, v52;
	v3 =	vadd.f32 v53, v3  }
0xff: {  	v56 =	vmul.f32 v49, v49;
	v4 =	vadd.f32 v54, v4;
	v2 =	vadd.f32 v2, v5  }
0x100: {  	v60 =	vmul.f32 v59, v59;
	v61 =	vmul.f32 v58, v58;
	v3 =	vadd.f32 v3, v6  }
0x101: {  	v5 =	vmul.f32 v58, v59;
	v4 =	vadd.f32 v4, v56;
	v2 =	vadd.f32 v2, v55  }
0x102: {  	v62 =	vmul.f32 v57, v1;
	v1 =	vmul.f32 v1, v1;
	v3 =	vadd.f32 v60, v3  }
0x103: {  	v63 =	vmul.f32 v57, v57;
	v2 =	vadd.f32 v5, v2;
	v4 =	vadd.f32 v61, v4  }
0x104: {  	v1 =	vadd.f32 v3, v1  }
0x105: {  	v2 =	vadd.f32 v2, v62;
	v3 =	vadd.f32 v4, v63  }
0x106: {  	v1 =	vmul.f32 $1.000000050e-03, v1  }
0x107: {  	[tilespmem:s0+$0x0] =	vst v2;
	v2 =	vmul.f32 $1.000000050e-03, v3  }
0x108: {  	[tilespmem:$0x4600] =	vst v1  }
0x109: {  	[tilespmem:$0x4610] =	vst v2  }
0x10a: {  	[hbm4b:s7+s3] =	stream.linear.scatter [tilespmem:s29], [sflag:$0x3], $0x200, $0x38;
	[tilespmem:$0x4620] =	vst v63  }
0x10b: {  	s31 =	sadd.s32 $0x1, s31;
	_ =	swait.ge [sflag:s10], $0x200  }
0x10c: {  	p0 =	sne.s32 s31, s9;
	[sflag:s10] =	ssyncset.done $0x0  }
.Ltmp1:
0x10d: {  	[sflag:s10] =	ssyncadd.s32 $0xFFFFFE00;
	(pc) =	sbr.rel @p0 .LBB2_1-.Ltmp1, $4  }
0x10e: {  	[hbm4b:s8+s3] =	stream.linear.scatter [tilespmem:s30], [sflag:$0x3], $0x20, $0x38;
	[tilespmem:$0x4620] =	vst v63  }
0x10f: {  	_ =	swait.ge [sflag:s10], $0x20  }
0x110: {  	[sflag:s10] =	ssyncset.done $0x0  }
0x111: {  	[sflag:s10] =	ssyncadd.s32 $0xFFFFFFE0  }
0x112: {  	_ =	sfence.sel $0x180000  }
0x113: {  	[bflag:$0x0] =	sbarrier.arrive $0xFFFF  }
0x114: {  	_ =	strace $0x9000004D  }
0x115: {  	s0 =	stileid.u32;
	[bflag:$0x2] =	sbarrier.arrive $0xFFFF  }
0x116: {  	p0 =	sne.s32 s0, $0x0;
	s0 =	rddreg [dreg:$0x4]  }
0x117: {  	s0 =	sadd.s32 @!p0 $0x100000, s0  }
0x118: {  	[sflag:s0] =	ssyncadd.tile.s32 @!p0 $0x1;
	_ =	shalt  }
.Lfunc_end2:
_tile_overlayer_lowered:
.L_overlay_start_2:
0x119: {  	(tag) =	ssettag $0x2  }
0x11a: {  	s0 =	rddreg [dreg:$0x0];
	s2 =	stileid.u32  }
0x11b: {  	s1 =	rddreg [dreg:$0x1];
	p0 =	sne.s32 s2, $0x0  }
0x11c: {  	s3 =	rddreg [dreg:$0x2];
	[bflag:$0x3] =	sbarrier.arrive $0xFFFF;
	s2 =	simm.s32 @!p0 $0x1C03  }
0x11d: {  	[timem:s3], [sflag:s2] =	dma.local @!p0 [hbm:s0], s1  }
0x11e: {  	s0 =	simm.s32 @!p0 $0x3  }
0x11f: {  	_ =	swait.ge @!p0 [sflag:s0], s1  }
0x120: {  	s1 =	ssub.s32 @!p0 $0x0, s1;
	[sflag:s0] =	ssyncset.done @!p0 $0x0  }
0x121: {  	[sflag:s0] =	ssyncadd.s32 @!p0 s1  }
0x122: {  	[bflag:$0x3] =	sbarrier.arrive $0xFFFF  }
0x123: {  	_ =	shalt  }

// kernel: sparse-core-data-format-call.1.cloned.1.call-start
scs
called_computation.1_lowered:
.L_overlay_start_0:
0x0: {  	s2 =	sld [smem:$0x3FD9]  }
0x1: {  	s3 =	sld [smem:$0x3FFE];
	_ =	sdelay $0x1  }
0x2: {  	s1 =	srdreg.scid  }
0x3: {  	s0 =	sand.u32 $0x1, s1  }
0x4: {  	s18 =	sshll.u32 s0, $0xA;
	s2 =	sadd.s32 s3, s2  }
0x5: {  	s2 =	sadd.s32 s2, s18  }
0x6: {  	[smem:$0x3FC4] =	sst s2  }
0x7: {  	_ = 	snop  }
0x8: {  	(tm) =	ssettm $0x1  }
0x9: {  	s19 =	sld [smem:$0x3FFB];
	_ =	sdelay $0x3  }
0xa: {  	_ =	strace s19  }
0xb: {  	s2 =	sld [smem:$0x3FFC];
	_ =	sdelay $0x3  }
0xc: {  	_ =	strace s2  }
0xd: {  	s2 =	sld [smem:$0x3FFD];
	_ =	sdelay $0x3  }
0xe: {  	_ =	strace s2  }
0xf: {  	_ =	strace $0x8FFFFFFF  }
0x10: {  	s20 =	sld [smem:$0x3FDB];
	_ =	sdelay $0x1  }
0x11: {  	s21 =	simm.s32 $_scs_section_size  }
0x12: {  	s4 =	simm.s32 $_size__tile_overlayer_lowered;
	s5 =	simm.s32 $_tile_overlayer_lowered  }
0x13: {  	s6 =	simm.s32 $0x1BFF;
	s22 =	sshll.u32 s5, $0x1;
	s3 =	sadd.s32 s21, s20  }
0x14: {  	s23 =	simm.s32 $0x0;
	s4 =	sshll.u32 s4, $0x1;
	s5 =	sadd.s32 s22, s3  }
0x15: {  	[timem:s23], [sflag:s6] =	dma.local [hbm:s5], s4  }
0x16: {  	_ =	swait.ge [sflag:s6], s4  }
0x17: {  	s4 =	ssub.s32 $0x0, s4;
	[sflag:s6] =	ssyncset.done $0x0  }
0x18: {  	[sflag:s6] =	ssyncadd.s32 s4;
	_ =	sdelay $0x1  }
0x19: {  	s24 =	simm.s32 $0x1B8B  }
0x1a: {  	_ =	swait.ge [sflag:s24], $0x1  }
0x1b: {  	[sflag:s24] =	ssyncset.done $0x0  }
0x1c: {  	[sflag:s24] =	ssyncadd.s32 $0xFFFFFFFF  }
0x1d: {  	s4 =	sld [smem:$0x0]  }
0x1e: {  	s5 =	sand.u32 $0xFFFFFFFE, s1  }
0x1f: {  	p0 =	sne.s32 s1, s5  }
0x20: {  	s5 =	sshll.u32 @p0 s5, $0xE  }
0x21: {  	s5 =	sadd.s32 @p0 $0x11B8D, s5;
	s6 =	sshll.u32 @p0 s4, $0x11  }
0x22: {  	s5 =	sor.u32 @p0 s6, s5  }
0x23: {  	[sflag:s5] =	ssyncadd.remote.s32 @p0 $0x1;
	_ =	sdelay $0x1  }
0x24: {  	s5 =	simm.s32 @p0 $0x1B8D  }
0x25: {  	_ =	swait.eq @p0 [sflag:s5], $0x1  }
0x26: {  	[sflag:s5] =	ssyncadd.s32 @p0 $0xFFFFFFFF  }
0x27: {  	s6 =	sshll.u32 @!p0 s1, $0xE  }
0x28: {  	s6 =	sor.u32 @!p0 $0x4000, s6;
	s5 =	simm.s32 @!p0 $0x1B8D  }
0x29: {  	s4 =	sshll.u32 @!p0 s4, $0x11;
	s6 =	sadd.s32 @!p0 $0x11B8D, s6;
	_ =	swait.eq @!p0 [sflag:s5], $0x1  }
0x2a: {  	s4 =	sor.u32 @!p0 s4, s6;
	[sflag:s5] =	ssyncadd.s32 @!p0 $0xFFFFFFFF  }
0x2b: {  	s26 =	simm.s32 $0x1B8E;
	s25 =	sld [smem:$0x3FFE];
	[sflag:s4] =	ssyncadd.remote.s32 @!p0 $0x1  }
0x2c: {  	s27 =	simm.s32 $execute0_lowered;
	[smem:$0x3FD2] =	sst s26  }
0x2d: {  	s5 =	sshll.u32 s27, $0x1;
	_ =	strace $0x80000049;
	[dreg:$0x1] =	wrdreg $0xFFFFFFFF  }
0x2e: {  	s28 =	simm.s32 $_size_execute0_lowered;
	s3 =	sadd.s32 s3, s5;
	[dreg:$0x0] =	wrdreg $0x0  }
0x2f: {  	s5 =	sshll.u32 s28, $0x1;
	[dreg:$0x2] =	wrdreg s3  }
0x30: {  	[dreg:$0x3] =	wrdreg s5  }
0x31: {  	[dreg:$0x4] =	wrdreg $0xC0  }
0x32: {  	_ =	task [dreg:s23], $0x5FFFF  }
0x33: {  	[dreg:$0x1] =	wrdreg $0xFFFFFFFF  }
0x34: {  	[dreg:$0x0] =	wrdreg $0x60  }
0x35: {  	[dreg:$0x2] =	wrdreg s25  }
0x36: {  	[dreg:$0x3] =	wrdreg $0xA  }
0x37: {  	_ =	task.clear_ibuf [dreg:s23], $0x4FFFF;
	_ =	strace $0x90000049  }
0x38: {  	s29 =	simm.s32 $0xA;
	_ =	strace $0x8000004B  }
0x39: {  	_ =	swait.ge [sflag:s29], $0x1  }
0x3a: {  	[sflag:s29] =	ssyncadd.s32 $0xFFFFFFFF  }
0x3b: {  	_ =	strace $0x9000004B  }
0x3c: {  	_ =	sfence  }
0x3d: {  	s30 =	sld [smem:$0x0];
	_ =	sdelay $0x2  }
0x3e: {  	s31 =	sshll.u32 s1, $0xD;
	s1 =	sshrl.u32 s1, $0x2  }
0x3f: {  	s4 =	sand.u32 $0x4000, s31;
	s1 =	sadd.s32 s1, s30  }
0x40: {  	s0 =	sor.u32 s4, s0;
	s1 =	sshll.u32 s1, $0x11  }
0x41: {  	s0 =	sor.u32 s1, s0  }
0x42: {  	s0 =	sadd.s32 $0x8F2B, s0  }
0x43: {  	[sflag:s0] =	ssyncadd.remote.s32 $0x1  }
0x44: {  	_ =	sfence.sel $0xFFFF  }
0x45: {  	[dreg:$0x0] =	wrdreg $0xFFFFFFFF;
	(pc) =	sbr.abs _section_cstart, $3  }
0x46: {  	[dreg:$0x1] =	wrdreg $0xFFFFFFFF  }
0x47: {  	_ =	task.clear_ibuf [dreg:s23], $0x2FFFF;
	_ =	strace $0x9FFFFFFF  }
0x48: {  	(tm) =	ssettm $0x7FFFFFFF  }
0x49: {  	_ =	shalt  }
tec
execute0_lowered:
.L_overlay_start_1:
0x0: {  	(tag) =	ssettag $0x1  }
0x1: {  	s0 =	srdreg.scid  }
0x2: {  	s5 =	rddreg [dreg:$0x0];
	s1 =	stileid.u32;
	s4 =	simm.s32 $0x1  }
0x3: {  	s6 =	simm.s32 $0x2;
	s15 =	simm.s32 $0x0;
	p0 =	por $0x0, $0x0  }
0x4: {  	s8 =	simm.s32 $0x80;
	s14 =	simm.s32 $0x0;
	s2 =	sshll.u32 s0, $0x4  }
0x5: {  	s9 =	simm.s32 $0x0;
	s10 =	simm.s32 $0x0;
	s2 =	sand.u32 $0x10, s2  }
.Ltmp0:
0x6: {  	s12 =	simm.s32 $0x0;
	s3 =	sor.u32 s1, s2;
	(pc) =	sbr.rel .LBB1_1-.Ltmp0, $4  }
0x7: {  	s0 =	rddreg [dreg:$0x1];
	_ =	strace $0x8000004A;
	s3 =	sshll.u32 s3, $0x7  }
0x8: {  	s13 =	simm.s32 $0x0;
	[sflag:s4] =	ssyncpa.u1 $0x0;
	s7 =	ssub.s32 $0xF4200, s3  }
0x9: {  	s2 =	sadd.s32 $0x1313000, s5;
	[sflag:s6] =	ssyncpa.u1 $0x0;
	s6 =	sshrl.u32 s7, $0xC  }
0xa: {  	s5 =	sadd.s32 $0x14FB600, s5;
	s11 =	smov.u32 s3;
	s7 =	sadd.s32 $0x2, s6  }
.LBB1_5:
0xb: {  	p1 =	slt.u32 s13, $0x2  }
0xc: {  	s17 =	smov.u32 s15;
	p2 =	sgt.s32 @!p1 s15, $0xF41C0;
	s16 =	sshra.s32 @!p1 s15, $0x1F  }
0xd: {  	p3 =	sgt.s32 @!p1 s14, $0x70;
	s18 =	sshra.s32 @!p1 s14, $0x1F;
	p2 =	por !p2, p1  }
0xe: {  	s15 =	sand.u32 @!p1 s16, s15;
	p3 =	por !p3, p1;
	s16 =	smov.u32 s14  }
0xf: {  	s14 =	sand.u32 @!p1 s18, s14;
	s17 =	simm.s32 @p2 $0xF41C0;
	s16 =	simm.s32 @p3 $0x70  }
0x10: {  	s15 =	ssub.s32 @!p1 s17, s15;
	s14 =	ssub.s32 @!p1 s16, s14  }
0x11: {  	s18 =	smov.u32 s12;
	s16 =	sadd.s32 @!p1 $0xFFF0BE40, s15;
	s17 =	sadd.s32 @!p1 $0xFFFFFF90, s14  }
0x12: {  	s15 =	ssub.s32 @!p1 $0xF4240, s15;
	p2 =	sgt.s32 @!p1 s16, $0x7F;
	p3 =	sgt.s32 @!p1 s17, $0xF  }
0x13: {  	s14 =	ssub.s32 @!p1 $0x80, s14;
	p2 =	por !p2, p1;
	p3 =	por !p3, p1  }
0x14: {  	s16 =	sadd.s32 $0x1000, s11;
	s15 =	simm.s32 @!p2 $0x0;
	s14 =	simm.s32 @!p3 $0x0  }
0x15: {  	p2 =	sgt.s32 s16, $0xF423F;
	s14 =	smul.u32 @!p1 s14, s15;
	s15 =	sadd.s32 $0x10, s12  }
0x16: {  	s18 =	smov.u32 @p2 s15  }
0x17: {  	s16 =	smov.u32 @p2 s3;
	p2 =	sgt.s32 s18, $0xF  }
0x18: {  	s18 =	simm.s32 @p2 $0x0;
	p2 =	sne.s32 s13, s7  }
.Ltmp1:
0x19: {  	p0 =	por !p0, !p0;
	s17 =	simm.s32 @!p1 $0x2;
	(pc) =	sbr.rel @!p2 .LBB1_6-.Ltmp1, $4  }
0x1a: {  	s15 =	smov.u32 s9;
	s9 =	smov.u32 s11;
	s14 =	sand.u32 @!p1 $0x3FFFFFFF, s14  }
0x1b: {  	s11 =	smov.u32 s16;
	_ =	swait.ge @!p1 [sflag:s17], s14;
	s19 =	ssub.s32 @!p1 $0x0, s14  }
0x1c: {  	s14 =	smov.u32 s10;
	s13 =	sadd.s32 $0x1, s13;
	[sflag:s17] =	ssyncset.done @!p1 $0x0  }
0x1d: {  	s10 =	smov.u32 s12;
	s12 =	smov.u32 s18;
	[sflag:s17] =	ssyncadd.s32 @!p1 s19  }
.LBB1_1:
0x1e: {  	p1 =	sgt.u32 s13, s6  }
0x1f: {  	s16 =	sshrl.u32 @!p1 s12, $0x3  }
0x20: {  	s17 =	sshll.u32 @!p1 s11, $0x3;
	s16 =	smul.u32 @!p1 $0x7A1400, s16  }
0x21: {  	s18 =	sshll.u32 @!p1 s12, $0x7;
	s17 =	sand.u32 @!p1 $0xFFFFFC00, s17  }
0x22: {  	s16 =	sadd.s32 @!p1 s16, s17;
	s17 =	sand.u32 @!p1 $0x380, s18  }
0x23: {  	s18 =	sand.u32 @!p1 $0x7F, s11;
	s16 =	sor.u32 @!p1 s17, s16  }
0x24: {  	s17 =	sor.u32 @!p1 s18, s16  }
0x25: {  	s18 =	smulhi.u32 @!p1 $0x218D6287, s17;
	_ =	sdelay $0x1  }
0x26: {  	s16 =	smulhi.u32 @!p1 $0x218D6287, s16;
	s18 =	sshrl.u32 @!p1 s18, $0x11  }
0x27: {  	s18 =	smul.u32 @!p1 $0xF4280, s18  }
0x28: {  	s19 =	sxor.u32 @!p1 $0xFFFFFFFF, s13;
	s16 =	sshrl.u32 @!p1 s16, $0x11  }
0x29: {  	s19 =	sshll.u32 @!p1 s19, $0xB;
	s16 =	sand.u32 @!p1 $0xF, s16;
	s17 =	ssub.s32 @!p1 s17, s18  }
0x2a: {  	s16 =	smul.u32 @!p1 $0x1E850, s16;
	s18 =	sshrl.u32 @!p1 s17, $0x3;
	s17 =	sand.u32 @!p1 $0x7, s17  }
0x2b: {  	s19 =	sand.u32 @!p1 $0x800, s19;
	s18 =	sadd.s32 @!p1 s2, s18;
	s17 =	sshll.u32 @!p1 s17, $0x12  }
0x2c: {  	s16 =	sadd.s32 @!p1 s16, s18;
	s17 =	sor.u32 @!p1 $0x400, s17;
	s18 =	simm.s32 @!p1 $0x7A1400  }
0x2d: {  	[tilespmem:s19], [sflag:$0x1] =	stream.strided.gather @!p1 [hbm4b:s16+s17], $0x800, s18, s17, $0x38;
	[tilespmem:$0x2100] =	vst v63  }
0x2e: {  	p1 =	seq.s32 s13, $0x0  }
0x2f: {  	p2 =	sge.u32 @!p1 s13, s7  }
0x30: {  	p1 =	por p1, p2  }
.Ltmp2:
0x31: {  	_ = 	snop;
	(pc) =	sbr.rel @p1 .LBB1_5-.Ltmp2, $1  }
0x32: {  	_ =	sdelay $0x3  }
0x33: {  	s16 =	simm.s32 $0x1  }
0x34: {  	_ =	swait.ge [sflag:s4], $0x800;
	s16 =	simm.s32 @!p0 $0x0  }
0x35: {  	[sflag:s4] =	ssyncset.done $0x0;
	s17 =	sshll.u32 s16, $0xB  }
0x36: {  	[sflag:s4] =	ssyncadd.s32 $0xFFFFF800;
	s17 =	sor.u32 $0x40, s17  }
0x37: {  	s16 =	smul.u32 $0x2200, s16;
	v0 =	vld [tilespmem:s17+$0x30]  }
0x38: {  	v1 =	vld [tilespmem:s17+$0xFFFFFFD0]  }
0x39: {  	s16 =	sshrl.u32 s16, $0x2;
	v5 =	vld [tilespmem:s17+$0xFFFFFFE0]  }
0x3a: {  	v6 =	vld [tilespmem:s17+$0xFFFFFFF0];
	s19 =	sor.u32 $0x1000, s16  }
0x3b: {  	s31 =	sand.u32 $0x1, s13;
	v4 =	vld [tilespmem:s17+$0x0];
	s18 =	sadd.s32 $0x0, s19  }
0x3c: {  	v3 =	vld [tilespmem:s17+$0x10];
	s16 =	smul.u32 $0x2200, s31;
	[tilespmem:s18+$0x770 ss:$0x11] =	vst.msk $0xffff, v0  }
0x3d: {  	v2 =	vld [tilespmem:s17+$0x20];
	[tilespmem:s18+$0x110 ss:$0x11] =	vst.msk $0xffff, v1  }
0x3e: {  	s16 =	sshrl.u32 s16, $0x2;
	v1 =	vld [tilespmem:s17+$0xFFFFFFC0];
	[tilespmem:s18+$0x220 ss:$0x11] =	vst.msk $0xffff, v5;
	s17 =	sadd.s32 $0x80, s17  }
0x3f: {  	s20 =	simm.s32 $0x4;
	s21 =	simm.s32 $0x8;
	s16 =	sor.u32 $0x1000, s16;
	[tilespmem:s18+$0x330 ss:$0x11] =	vst.msk $0xffff, v6;
	v0 =	vld [tilespmem:s17+$0x30]  }
.LBB1_3:
0x40: {  	p1 =	sne.s32 s21, $0x3C;
	v5 =	vld [tilespmem:s17+$0xFFFFFFD0];
	[tilespmem:s18+$0x440 ss:$0x11] =	vst.msk $0xffff, v4  }
0x41: {  	v6 =	vld [tilespmem:s17+$0xFFFFFFE0];
	[tilespmem:s18+$0x550 ss:$0x11] =	vst.msk $0xffff, v3  }
0x42: {  	s22 =	sshra.s32 s20, $0x2;
	s20 =	smov.u32 s21;
	v7 =	vld [tilespmem:s17+$0xFFFFFFF0];
	[tilespmem:s18+$0x660 ss:$0x11] =	vst.msk $0xffff, v2  }
.Ltmp3:
0x43: {  	v4 =	vld [tilespmem:s17+$0x0];
	[tilespmem:s18+$0x0 ss:$0x11] =	vst.msk $0xffff, v1;
	s18 =	sadd.s32 s22, s19;
	(pc) =	sbr.rel @p1 .LBB1_3-.Ltmp3, $4  }
0x44: {  	v3 =	vld [tilespmem:s17+$0x10];
	[tilespmem:s18+$0x770 ss:$0x11] =	vst.msk $0xffff, v0  }
0x45: {  	[tilespmem:s18+$0x110 ss:$0x11] =	vst.msk $0xffff, v5;
	v2 =	vld [tilespmem:s17+$0x20]  }
0x46: {  	v1 =	vld [tilespmem:s17+$0xFFFFFFC0];
	[tilespmem:s18+$0x220 ss:$0x11] =	vst.msk $0xffff, v6;
	s17 =	sadd.s32 $0x80, s17  }
0x47: {  	s21 =	sadd.s32 $0x4, s21;
	v0 =	vld [tilespmem:s17+$0x30];
	[tilespmem:s18+$0x330 ss:$0x11] =	vst.msk $0xffff, v7  }
0x48: {  	s21 =	sshll.u32 s9, $0x7;
	s22 =	sshll.u32 s10, $0x3;
	s20 =	sshra.s32 s20, $0x2  }
0x49: {  	p1 =	sgt.s32 s9, $0xF41C0;
	s30 =	sshra.s32 s9, $0x1F;
	s25 =	sshra.s32 s10, $0x1F  }
0x4a: {  	v5 =	vld [tilespmem:s17+$0xFFFFFFD0];
	s28 =	sshrl.u32 s10, $0x3;
	s23 =	sand.u32 $0xFFFFFC00, s21;
	s22 =	sand.u32 $0xFFFFFC00, s22  }
0x4b: {  	[tilespmem:s18+$0x440 ss:$0x11] =	vst.msk $0xffff, v4;
	v58 =	vld [tilespmem:s17+$0xFFFFFFE0];
	s21 =	sand.u32 $0x380, s21;
	s19 =	sadd.s32 s20, s19;
	s22 =	sadd.s32 s22, s23  }
0x4c: {  	v59 =	vld [tilespmem:s17+$0xFFFFFFF0];
	[tilespmem:s18+$0x550 ss:$0x11] =	vst.msk $0xffff, v3;
	s29 =	sor.u32 s21, s22;
	s21 =	smov.u32 s9;
	s22 =	sand.u32 s30, s9  }
0x4d: {  	v60 =	vld [tilespmem:s17+$0x0];
	[tilespmem:s18+$0x660 ss:$0x11] =	vst.msk $0xffff, v2;
	s30 =	sand.u32 $0x7, s10;
	s20 =	sshrl.u32 s29, $0x7;
	s21 =	simm.s32 @!p1 $0xF41C0  }
0x4e: {  	v61 =	vld [tilespmem:s17+$0x10];
	[tilespmem:s18+$0x0 ss:$0x11] =	vst.msk $0xffff, v1;
	p1 =	sgt.s32 s10, $0x70;
	s24 =	ssub.s32 s21, s22;
	s21 =	smov.u32 s10  }
0x4f: {  	v62 =	vld [tilespmem:s17+$0x20];
	[tilespmem:s19+$0x770 ss:$0x11] =	vst.msk $0xffff, v0;
	s31 =	smulhi.u32 $0x218DEF5, s20;
	s22 =	sand.u32 s25, s10;
	s21 =	simm.s32 @!p1 $0x70  }
0x50: {  	v63 =	vld [tilespmem:s17+$0xFFFFFFC0];
	[tilespmem:s19+$0x110 ss:$0x11] =	vst.msk $0xffff, v5;
	s26 =	sadd.s32 $0xFFF0BE40, s24;
	s17 =	ssub.s32 $0xF4240, s24;
	s21 =	ssub.s32 s21, s22  }
0x51: {  	[tilespmem:s19+$0x220 ss:$0x11] =	vst.msk $0xffff, v58;
	s23 =	sshrl.u32 s31, $0xD;
	p1 =	sgt.s32 s26, $0x7F;
	s27 =	sadd.s32 $0xFFFFFF90, s21  }
0x52: {  	[tilespmem:s19+$0x330 ss:$0x11] =	vst.msk $0xffff, v59;
	s23 =	smul.u32 $0xF4240, s23;
	s18 =	ssub.s32 $0x80, s21;
	p2 =	sgt.s32 s27, $0xF  }
.Ltmp4:
0x53: {  	[tilespmem:s19+$0x440 ss:$0x11] =	vst.msk $0xffff, v60;
	s17 =	simm.s32 @p1 $0x0;
	s18 =	simm.s32 @p2 $0x0;
	(pc) =	sbr.rel .LBB1_5-.Ltmp4, $4  }
0x54: {  	s29 =	sand.u32 $0xF, s28;
	[tilespmem:s19+$0x550 ss:$0x11] =	vst.msk $0xffff, v61;
	s20 =	ssub.s32 s20, s23;
	s17 =	smul.u32 s18, s17  }
0x55: {  	[tilespmem:s19+$0x660 ss:$0x11] =	vst.msk $0xffff, v62;
	s21 =	sshll.u32 s30, $0x12;
	s20 =	sshll.u32 s20, $0x4;
	s18 =	sadd.s32 s5, s29  }
0x56: {  	[tilespmem:s19+$0x0 ss:$0x11] =	vst.msk $0xffff, v63;
	s31 =	sor.u32 $0x10, s21;
	s18 =	sadd.s32 s20, s18;
	s17 =	sand.u32 $0x3FFFFFFF, s17  }
0x57: {  	[hbm4b:s18+s31] =	stream.strided.scatter [tilespmem:s16], [sflag:$0x2], s17, s8, s31, $0x8;
	[tilespmem:$0x2100] =	vst v63  }
.LBB1_6:
0x58: {  	_ =	sfence.sel $0x180000  }
0x59: {  	s2 =	simm.s32 $0x1;
	[bflag:$0x0] =	sbarrier.arrive $0xFFFF  }
0x5a: {  	s31 =	simm.s32 $0x2;
	[sflag:s2] =	ssyncpa.u1 $0x1  }
0x5b: {  	[sflag:s31] =	ssyncpa.u1 $0x1  }
0x5c: {  	p0 =	sne.s32 s1, $0x0;
	_ =	strace $0x9000004A  }
0x5d: {  	s0 =	sadd.s32 @!p0 $0x100000, s0;
	[bflag:$0x2] =	sbarrier.arrive $0xFFFF  }
0x5e: {  	[sflag:s0] =	ssyncadd.tile.s32 @!p0 $0x1;
	_ =	shalt  }
.Lfunc_end1:
_tile_overlayer_lowered:
.L_overlay_start_2:
0x5f: {  	(tag) =	ssettag $0x2  }
0x60: {  	s0 =	rddreg [dreg:$0x0];
	s2 =	stileid.u32  }
0x61: {  	s1 =	rddreg [dreg:$0x1];
	p0 =	sne.s32 s2, $0x0  }
0x62: {  	s3 =	rddreg [dreg:$0x2];
	[bflag:$0x3] =	sbarrier.arrive $0xFFFF;
	s2 =	simm.s32 @!p0 $0x1C01  }
0x63: {  	[timem:s3], [sflag:s2] =	dma.local @!p0 [hbm:s0], s1  }
0x64: {  	s0 =	simm.s32 @!p0 $0x1  }
0x65: {  	_ =	swait.ge @!p0 [sflag:s0], s1  }
0x66: {  	s1 =	ssub.s32 @!p0 $0x0, s1;
	[sflag:s0] =	ssyncset.done @!p0 $0x0  }
0x67: {  	[sflag:s0] =	ssyncadd.s32 @!p0 s1  }
0x68: {  	[bflag:$0x3] =	sbarrier.arrive $0xFFFF  }
0x69: {  	_ =	shalt  }

// kernel: sparse-core-data-format-call.cloned.1.call-start
scs
called_computation_lowered:
.L_overlay_start_0:
0x0: {  	s1 =	sld [smem:$0x3FD9]  }
0x1: {  	s2 =	sld [smem:$0x3FFE];
	_ =	sdelay $0x1  }
0x2: {  	s3 =	srdreg.scid  }
0x3: {  	s0 =	sand.u32 $0x1, s3  }
0x4: {  	s17 =	sshll.u32 s0, $0xA;
	s1 =	sadd.s32 s2, s1  }
0x5: {  	s1 =	sadd.s32 s1, s17  }
0x6: {  	[smem:$0x3FC4] =	sst s1  }
0x7: {  	_ = 	snop  }
0x8: {  	(tm) =	ssettm $0x1  }
0x9: {  	s18 =	sld [smem:$0x3FFB];
	_ =	sdelay $0x3  }
0xa: {  	_ =	strace s18  }
0xb: {  	s1 =	sld [smem:$0x3FFC];
	_ =	sdelay $0x3  }
0xc: {  	_ =	strace s1  }
0xd: {  	s1 =	sld [smem:$0x3FFD];
	_ =	sdelay $0x3  }
0xe: {  	_ =	strace s1  }
0xf: {  	_ =	strace $0x8FFFFFFF  }
0x10: {  	s19 =	sld [smem:$0x3FDB];
	_ =	sdelay $0x1  }
0x11: {  	s20 =	simm.s32 $_scs_section_size  }
0x12: {  	s4 =	simm.s32 $_size__tile_overlayer_lowered;
	s5 =	simm.s32 $_tile_overlayer_lowered  }
0x13: {  	s23 =	simm.s32 $0x1BFF;
	s22 =	sshll.u32 s5, $0x1;
	s1 =	sadd.s32 s20, s19  }
0x14: {  	s6 =	simm.s32 $0x0;
	s21 =	sshll.u32 s4, $0x1;
	s4 =	sadd.s32 s22, s1  }
0x15: {  	[timem:s6], [sflag:s23] =	dma.local [hbm:s4], s21  }
0x16: {  	_ =	swait.ge [sflag:s23], s21  }
0x17: {  	s2 =	ssub.s32 $0x0, s21;
	[sflag:s23] =	ssyncset.done $0x0  }
0x18: {  	[sflag:s23] =	ssyncadd.s32 s2;
	_ =	sdelay $0x1  }
0x19: {  	s24 =	simm.s32 $0x1B8B  }
0x1a: {  	_ =	swait.ge [sflag:s24], $0x1  }
0x1b: {  	[sflag:s24] =	ssyncset.done $0x0  }
0x1c: {  	s26 =	simm.s32 $0x1B8E;
	s25 =	sld [smem:$0x3FFE];
	[sflag:s24] =	ssyncadd.s32 $0xFFFFFFFF  }
0x1d: {  	s27 =	simm.s32 $execute0_lowered;
	[smem:$0x3FD2] =	sst s26  }
0x1e: {  	s4 =	sshll.u32 s27, $0x1;
	_ =	strace $0x80000046;
	[dreg:$0x1] =	wrdreg $0xFFFFFFFF  }
0x1f: {  	s28 =	simm.s32 $_size_execute0_lowered;
	s1 =	sadd.s32 s1, s4;
	[dreg:$0x0] =	wrdreg $0x0  }
0x20: {  	s4 =	sshll.u32 s28, $0x1;
	[dreg:$0x2] =	wrdreg s1  }
0x21: {  	[dreg:$0x3] =	wrdreg s4  }
0x22: {  	[dreg:$0x4] =	wrdreg $0xC0  }
0x23: {  	_ =	task [dreg:s6], $0x5FFFF  }
0x24: {  	[dreg:$0x1] =	wrdreg $0xFFFFFFFF  }
0x25: {  	[dreg:$0x0] =	wrdreg $0x60  }
0x26: {  	[dreg:$0x2] =	wrdreg s25  }
0x27: {  	[dreg:$0x3] =	wrdreg $0x9  }
0x28: {  	_ =	task.clear_ibuf [dreg:s6], $0x4FFFF;
	_ =	strace $0x90000046  }
0x29: {  	s29 =	simm.s32 $0x9;
	_ =	strace $0x80000048  }
0x2a: {  	_ =	swait.ge [sflag:s29], $0x1  }
0x2b: {  	[sflag:s29] =	ssyncadd.s32 $0xFFFFFFFF  }
0x2c: {  	_ =	strace $0x90000048  }
0x2d: {  	_ =	sfence  }
0x2e: {  	s30 =	sld [smem:$0x0];
	_ =	sdelay $0x2  }
0x2f: {  	s31 =	sshll.u32 s3, $0xD;
	s3 =	sshrl.u32 s3, $0x2  }
0x30: {  	s2 =	sand.u32 $0x4000, s31;
	s1 =	sadd.s32 s3, s30  }
0x31: {  	s0 =	sor.u32 s2, s0;
	s1 =	sshll.u32 s1, $0x11  }
0x32: {  	s0 =	sor.u32 s1, s0  }
0x33: {  	s0 =	sadd.s32 $0x8F2B, s0  }
0x34: {  	[sflag:s0] =	ssyncadd.remote.s32 $0x1  }
0x35: {  	_ =	sfence.sel $0xFFFF  }
0x36: {  	[dreg:$0x0] =	wrdreg $0xFFFFFFFF;
	(pc) =	sbr.abs _section_cstart, $3  }
0x37: {  	[dreg:$0x1] =	wrdreg $0xFFFFFFFF  }
0x38: {  	_ =	task.clear_ibuf [dreg:s6], $0x2FFFF;
	_ =	strace $0x9FFFFFFF  }
0x39: {  	(tm) =	ssettm $0x7FFFFFFF  }
tec
execute0_lowered:
.L_overlay_start_1:
0x0: {  	(tag) =	ssettag $0x1  }
0x1: {  	s0 =	srdreg.scid  }
0x2: {  	s5 =	rddreg [dreg:$0x0];
	s1 =	stileid.u32;
	s4 =	simm.s32 $0x1  }
0x3: {  	s6 =	simm.s32 $0x2;
	s15 =	simm.s32 $0x0;
	p0 =	por $0x0, $0x0  }
0x4: {  	s8 =	simm.s32 $0x80;
	s14 =	simm.s32 $0x0;
	s2 =	sshll.u32 s0, $0x4  }
0x5: {  	s9 =	simm.s32 $0x0;
	s10 =	simm.s32 $0x0;
	s2 =	sand.u32 $0x10, s2  }
.Ltmp0:
0x6: {  	s12 =	simm.s32 $0x0;
	s3 =	sor.u32 s1, s2;
	(pc) =	sbr.rel .LBB1_1-.Ltmp0, $4  }
0x7: {  	s0 =	rddreg [dreg:$0x1];
	_ =	strace $0x80000047;
	s3 =	sshll.u32 s3, $0x7  }
0x8: {  	s13 =	simm.s32 $0x0;
	[sflag:s4] =	ssyncpa.u1 $0x0;
	s7 =	ssub.s32 $0xF4200, s3  }
0x9: {  	s2 =	sadd.s32 $0x1E8600, s5;
	[sflag:s6] =	ssyncpa.u1 $0x0;
	s6 =	sshrl.u32 s7, $0xC  }
0xa: {  	s5 =	sadd.s32 $0x3D0C00, s5;
	s11 =	smov.u32 s3;
	s7 =	sadd.s32 $0x2, s6  }
.LBB1_5:
0xb: {  	p1 =	slt.u32 s13, $0x2  }
0xc: {  	s17 =	smov.u32 s15;
	p2 =	sgt.s32 @!p1 s15, $0xF41C0;
	s16 =	sshra.s32 @!p1 s15, $0x1F  }
0xd: {  	p3 =	sgt.s32 @!p1 s14, $0x70;
	s18 =	sshra.s32 @!p1 s14, $0x1F;
	p2 =	por !p2, p1  }
0xe: {  	s15 =	sand.u32 @!p1 s16, s15;
	p3 =	por !p3, p1;
	s16 =	smov.u32 s14  }
0xf: {  	s14 =	sand.u32 @!p1 s18, s14;
	s17 =	simm.s32 @p2 $0xF41C0;
	s16 =	simm.s32 @p3 $0x70  }
0x10: {  	s15 =	ssub.s32 @!p1 s17, s15;
	s14 =	ssub.s32 @!p1 s16, s14  }
0x11: {  	s18 =	smov.u32 s12;
	s16 =	sadd.s32 @!p1 $0xFFF0BE40, s15;
	s17 =	sadd.s32 @!p1 $0xFFFFFF90, s14  }
0x12: {  	s15 =	ssub.s32 @!p1 $0xF4240, s15;
	p2 =	sgt.s32 @!p1 s16, $0x7F;
	p3 =	sgt.s32 @!p1 s17, $0xF  }
0x13: {  	s14 =	ssub.s32 @!p1 $0x80, s14;
	p2 =	por !p2, p1;
	p3 =	por !p3, p1  }
0x14: {  	s16 =	sadd.s32 $0x1000, s11;
	s15 =	simm.s32 @!p2 $0x0;
	s14 =	simm.s32 @!p3 $0x0  }
0x15: {  	p2 =	sgt.s32 s16, $0xF423F;
	s14 =	smul.u32 @!p1 s14, s15;
	s15 =	sadd.s32 $0x10, s12  }
0x16: {  	s18 =	smov.u32 @p2 s15  }
0x17: {  	s16 =	smov.u32 @p2 s3;
	p2 =	sgt.s32 s18, $0xF  }
0x18: {  	s18 =	simm.s32 @p2 $0x0;
	p2 =	sne.s32 s13, s7  }
.Ltmp1:
0x19: {  	p0 =	por !p0, !p0;
	s17 =	simm.s32 @!p1 $0x2;
	(pc) =	sbr.rel @!p2 .LBB1_6-.Ltmp1, $4  }
0x1a: {  	s15 =	smov.u32 s9;
	s9 =	smov.u32 s11;
	s14 =	sand.u32 @!p1 $0x3FFFFFFF, s14  }
0x1b: {  	s11 =	smov.u32 s16;
	_ =	swait.ge @!p1 [sflag:s17], s14;
	s19 =	ssub.s32 @!p1 $0x0, s14  }
0x1c: {  	s14 =	smov.u32 s10;
	s13 =	sadd.s32 $0x1, s13;
	[sflag:s17] =	ssyncset.done @!p1 $0x0  }
0x1d: {  	s10 =	smov.u32 s12;
	s12 =	smov.u32 s18;
	[sflag:s17] =	ssyncadd.s32 @!p1 s19  }
.LBB1_1:
0x1e: {  	p1 =	sgt.u32 s13, s6  }
0x1f: {  	s16 =	sshrl.u32 @!p1 s12, $0x3  }
0x20: {  	s17 =	sshll.u32 @!p1 s11, $0x3;
	s16 =	smul.u32 @!p1 $0x7A1400, s16  }
0x21: {  	s18 =	sshll.u32 @!p1 s12, $0x7;
	s17 =	sand.u32 @!p1 $0xFFFFFC00, s17  }
0x22: {  	s16 =	sadd.s32 @!p1 s16, s17;
	s17 =	sand.u32 @!p1 $0x380, s18  }
0x23: {  	s18 =	sand.u32 @!p1 $0x7F, s11;
	s16 =	sor.u32 @!p1 s17, s16  }
0x24: {  	s17 =	sor.u32 @!p1 s18, s16  }
0x25: {  	s18 =	smulhi.u32 @!p1 $0x218D6287, s17;
	_ =	sdelay $0x1  }
0x26: {  	s16 =	smulhi.u32 @!p1 $0x218D6287, s16;
	s18 =	sshrl.u32 @!p1 s18, $0x11  }
0x27: {  	s18 =	smul.u32 @!p1 $0xF4280, s18  }
0x28: {  	s19 =	sxor.u32 @!p1 $0xFFFFFFFF, s13;
	s16 =	sshrl.u32 @!p1 s16, $0x11  }
0x29: {  	s19 =	sshll.u32 @!p1 s19, $0xB;
	s16 =	sand.u32 @!p1 $0xF, s16;
	s17 =	ssub.s32 @!p1 s17, s18  }
0x2a: {  	s16 =	smul.u32 @!p1 $0x1E850, s16;
	s18 =	sshrl.u32 @!p1 s17, $0x3;
	s17 =	sand.u32 @!p1 $0x7, s17  }
0x2b: {  	s19 =	sand.u32 @!p1 $0x800, s19;
	s18 =	sadd.s32 @!p1 s2, s18;
	s17 =	sshll.u32 @!p1 s17, $0x12  }
0x2c: {  	s16 =	sadd.s32 @!p1 s16, s18;
	s17 =	sor.u32 @!p1 $0x400, s17;
	s18 =	simm.s32 @!p1 $0x7A1400  }
0x2d: {  	[tilespmem:s19], [sflag:$0x1] =	stream.strided.gather @!p1 [hbm4b:s16+s17], $0x800, s18, s17, $0x38;
	[tilespmem:$0x2100] =	vst v63  }
0x2e: {  	p1 =	seq.s32 s13, $0x0  }
0x2f: {  	p2 =	sge.u32 @!p1 s13, s7  }
0x30: {  	p1 =	por p1, p2  }
.Ltmp2:
0x31: {  	_ = 	snop;
	(pc) =	sbr.rel @p1 .LBB1_5-.Ltmp2, $1  }
0x32: {  	_ =	sdelay $0x3  }
0x33: {  	s16 =	simm.s32 $0x1  }
0x34: {  	_ =	swait.ge [sflag:s4], $0x800;
	s16 =	simm.s32 @!p0 $0x0  }
0x35: {  	[sflag:s4] =	ssyncset.done $0x0;
	s17 =	sshll.u32 s16, $0xB  }
0x36: {  	[sflag:s4] =	ssyncadd.s32 $0xFFFFF800;
	s17 =	sor.u32 $0x40, s17  }
0x37: {  	s16 =	smul.u32 $0x2200, s16;
	v0 =	vld [tilespmem:s17+$0x30]  }
0x38: {  	v1 =	vld [tilespmem:s17+$0xFFFFFFD0]  }
0x39: {  	s16 =	sshrl.u32 s16, $0x2;
	v5 =	vld [tilespmem:s17+$0xFFFFFFE0]  }
0x3a: {  	v6 =	vld [tilespmem:s17+$0xFFFFFFF0];
	s19 =	sor.u32 $0x1000, s16  }
0x3b: {  	s31 =	sand.u32 $0x1, s13;
	v4 =	vld [tilespmem:s17+$0x0];
	s18 =	sadd.s32 $0x0, s19  }
0x3c: {  	v3 =	vld [tilespmem:s17+$0x10];
	s16 =	smul.u32 $0x2200, s31;
	[tilespmem:s18+$0x770 ss:$0x11] =	vst.msk $0xffff, v0  }
0x3d: {  	v2 =	vld [tilespmem:s17+$0x20];
	[tilespmem:s18+$0x110 ss:$0x11] =	vst.msk $0xffff, v1  }
0x3e: {  	s16 =	sshrl.u32 s16, $0x2;
	v1 =	vld [tilespmem:s17+$0xFFFFFFC0];
	[tilespmem:s18+$0x220 ss:$0x11] =	vst.msk $0xffff, v5;
	s17 =	sadd.s32 $0x80, s17  }
0x3f: {  	s20 =	simm.s32 $0x4;
	s21 =	simm.s32 $0x8;
	s16 =	sor.u32 $0x1000, s16;
	[tilespmem:s18+$0x330 ss:$0x11] =	vst.msk $0xffff, v6;
	v0 =	vld [tilespmem:s17+$0x30]  }
.LBB1_3:
0x40: {  	p1 =	sne.s32 s21, $0x3C;
	v5 =	vld [tilespmem:s17+$0xFFFFFFD0];
	[tilespmem:s18+$0x440 ss:$0x11] =	vst.msk $0xffff, v4  }
0x41: {  	v6 =	vld [tilespmem:s17+$0xFFFFFFE0];
	[tilespmem:s18+$0x550 ss:$0x11] =	vst.msk $0xffff, v3  }
0x42: {  	s22 =	sshra.s32 s20, $0x2;
	s20 =	smov.u32 s21;
	v7 =	vld [tilespmem:s17+$0xFFFFFFF0];
	[tilespmem:s18+$0x660 ss:$0x11] =	vst.msk $0xffff, v2  }
.Ltmp3:
0x43: {  	v4 =	vld [tilespmem:s17+$0x0];
	[tilespmem:s18+$0x0 ss:$0x11] =	vst.msk $0xffff, v1;
	s18 =	sadd.s32 s22, s19;
	(pc) =	sbr.rel @p1 .LBB1_3-.Ltmp3, $4  }
0x44: {  	v3 =	vld [tilespmem:s17+$0x10];
	[tilespmem:s18+$0x770 ss:$0x11] =	vst.msk $0xffff, v0  }
0x45: {  	[tilespmem:s18+$0x110 ss:$0x11] =	vst.msk $0xffff, v5;
	v2 =	vld [tilespmem:s17+$0x20]  }
0x46: {  	v1 =	vld [tilespmem:s17+$0xFFFFFFC0];
	[tilespmem:s18+$0x220 ss:$0x11] =	vst.msk $0xffff, v6;
	s17 =	sadd.s32 $0x80, s17  }
0x47: {  	s21 =	sadd.s32 $0x4, s21;
	v0 =	vld [tilespmem:s17+$0x30];
	[tilespmem:s18+$0x330 ss:$0x11] =	vst.msk $0xffff, v7  }
0x48: {  	s21 =	sshll.u32 s9, $0x7;
	s22 =	sshll.u32 s10, $0x3;
	s20 =	sshra.s32 s20, $0x2  }
0x49: {  	p1 =	sgt.s32 s9, $0xF41C0;
	s30 =	sshra.s32 s9, $0x1F;
	s25 =	sshra.s32 s10, $0x1F  }
0x4a: {  	v5 =	vld [tilespmem:s17+$0xFFFFFFD0];
	s28 =	sshrl.u32 s10, $0x3;
	s23 =	sand.u32 $0xFFFFFC00, s21;
	s22 =	sand.u32 $0xFFFFFC00, s22  }
0x4b: {  	[tilespmem:s18+$0x440 ss:$0x11] =	vst.msk $0xffff, v4;
	v58 =	vld [tilespmem:s17+$0xFFFFFFE0];
	s21 =	sand.u32 $0x380, s21;
	s19 =	sadd.s32 s20, s19;
	s22 =	sadd.s32 s22, s23  }
0x4c: {  	v59 =	vld [tilespmem:s17+$0xFFFFFFF0];
	[tilespmem:s18+$0x550 ss:$0x11] =	vst.msk $0xffff, v3;
	s29 =	sor.u32 s21, s22;
	s21 =	smov.u32 s9;
	s22 =	sand.u32 s30, s9  }
0x4d: {  	v60 =	vld [tilespmem:s17+$0x0];
	[tilespmem:s18+$0x660 ss:$0x11] =	vst.msk $0xffff, v2;
	s30 =	sand.u32 $0x7, s10;
	s20 =	sshrl.u32 s29, $0x7;
	s21 =	simm.s32 @!p1 $0xF41C0  }
0x4e: {  	v61 =	vld [tilespmem:s17+$0x10];
	[tilespmem:s18+$0x0 ss:$0x11] =	vst.msk $0xffff, v1;
	p1 =	sgt.s32 s10, $0x70;
	s24 =	ssub.s32 s21, s22;
	s21 =	smov.u32 s10  }
0x4f: {  	v62 =	vld [tilespmem:s17+$0x20];
	[tilespmem:s19+$0x770 ss:$0x11] =	vst.msk $0xffff, v0;
	s31 =	smulhi.u32 $0x218DEF5, s20;
	s22 =	sand.u32 s25, s10;
	s21 =	simm.s32 @!p1 $0x70  }
0x50: {  	v63 =	vld [tilespmem:s17+$0xFFFFFFC0];
	[tilespmem:s19+$0x110 ss:$0x11] =	vst.msk $0xffff, v5;
	s26 =	sadd.s32 $0xFFF0BE40, s24;
	s17 =	ssub.s32 $0xF4240, s24;
	s21 =	ssub.s32 s21, s22  }
0x51: {  	[tilespmem:s19+$0x220 ss:$0x11] =	vst.msk $0xffff, v58;
	s23 =	sshrl.u32 s31, $0xD;
	p1 =	sgt.s32 s26, $0x7F;
	s27 =	sadd.s32 $0xFFFFFF90, s21  }
0x52: {  	[tilespmem:s19+$0x330 ss:$0x11] =	vst.msk $0xffff, v59;
	s23 =	smul.u32 $0xF4240, s23;
	s18 =	ssub.s32 $0x80, s21;
	p2 =	sgt.s32 s27, $0xF  }
.Ltmp4:
0x53: {  	[tilespmem:s19+$0x440 ss:$0x11] =	vst.msk $0xffff, v60;
	s17 =	simm.s32 @p1 $0x0;
	s18 =	simm.s32 @p2 $0x0;
	(pc) =	sbr.rel .LBB1_5-.Ltmp4, $4  }
0x54: {  	s29 =	sand.u32 $0xF, s28;
	[tilespmem:s19+$0x550 ss:$0x11] =	vst.msk $0xffff, v61;
	s20 =	ssub.s32 s20, s23;
	s17 =	smul.u32 s18, s17  }
0x55: {  	[tilespmem:s19+$0x660 ss:$0x11] =	vst.msk $0xffff, v62;
	s21 =	sshll.u32 s30, $0x12;
	s20 =	sshll.u32 s20, $0x4;
	s18 =	sadd.s32 s5, s29  }
0x56: {  	[tilespmem:s19+$0x0 ss:$0x11] =	vst.msk $0xffff, v63;
	s31 =	sor.u32 $0x10, s21;
	s18 =	sadd.s32 s20, s18;
	s17 =	sand.u32 $0x3FFFFFFF, s17  }
0x57: {  	[hbm4b:s18+s31] =	stream.strided.scatter [tilespmem:s16], [sflag:$0x2], s17, s8, s31, $0x8;
	[tilespmem:$0x2100] =	vst v63  }
.LBB1_6:
0x58: {  	_ =	sfence.sel $0x180000  }
0x59: {  	s2 =	simm.s32 $0x1;
	[bflag:$0x0] =	sbarrier.arrive $0xFFFF  }
0x5a: {  	s31 =	simm.s32 $0x2;
	[sflag:s2] =	ssyncpa.u1 $0x1  }
0x5b: {  	[sflag:s31] =	ssyncpa.u1 $0x1  }
0x5c: {  	p0 =	sne.s32 s1, $0x0;
	_ =	strace $0x90000047  }
0x5d: {  	s0 =	sadd.s32 @!p0 $0x100000, s0;
	[bflag:$0x2] =	sbarrier.arrive $0xFFFF  }
0x5e: {  	[sflag:s0] =	ssyncadd.tile.s32 @!p0 $0x1;
	_ =	shalt  }
.Lfunc_end1:
_tile_overlayer_lowered:
.L_overlay_start_2:
0x5f: {  	(tag) =	ssettag $0x2  }
0x60: {  	s0 =	rddreg [dreg:$0x0];
	s2 =	stileid.u32  }
0x61: {  	s1 =	rddreg [dreg:$0x1];
	p0 =	sne.s32 s2, $0x0  }
0x62: {  	s3 =	rddreg [dreg:$0x2];
	[bflag:$0x3] =	sbarrier.arrive $0xFFFF;
	s2 =	simm.s32 @!p0 $0x1C01  }
0x63: {  	[timem:s3], [sflag:s2] =	dma.local @!p0 [hbm:s0], s1  }
0x64: {  	s0 =	simm.s32 @!p0 $0x1  }
0x65: {  	_ =	swait.ge @!p0 [sflag:s0], s1  }
0x66: {  	s1 =	ssub.s32 @!p0 $0x0, s1;
	[sflag:s0] =	ssyncset.done @!p0 $0x0  }
0x67: {  	[sflag:s0] =	ssyncadd.s32 @!p0 s1  }
0x68: {  	[bflag:$0x3] =	sbarrier.arrive $0xFFFF  }
0x69: {  	_ =	shalt  }

</sc_bundles>
